<compile_context>
chip_gen: v7x
topology: tpu7x:2x2x1
jax: 0.10.2.dev20260603
libtpu: 0.0.44.dev20260713+nightly
codegen_flags: <defaults>
</compile_context>

<pallas_src>
import functools

import jax
import jax.numpy as jnp
from jax import lax
from jax.experimental import pallas as pl
from jax.experimental.pallas import tpu as pltpu
from jax.experimental.pallas import tpu_sc as plsc

T = 1048576
E = 8
NC = 2
NS = 16
NW = NC * NS
LANES = 16
TILE_TOK = 128
NTILES = T // TILE_TOK
SC_TILES = 7168
TILES_PER_W = SC_TILES // NW
NCHUNK = 8
CHUNK_TILES = TILES_PER_W // NCHUNK
TC_BT = 16
TC_BLOCKS = (NTILES - SC_TILES) // TC_BT
GPT = TILE_TOK // LANES
GROUPS = CHUNK_TILES * GPT
ALPHA = 0.01 * E / (float(T) * float(T))

_mesh = plsc.VectorSubcoreMesh(core_axis_name="c", subcore_axis_name="s")


@functools.partial(
    pl.kernel,
    out_type=jax.ShapeDtypeStruct((NW * LANES,), jnp.float32),
    mesh=_mesh,
    scratch_types=[
        pltpu.VMEM((CHUNK_TILES, E, TILE_TOK), jnp.float32),
        pltpu.VMEM((CHUNK_TILES, E, TILE_TOK), jnp.float32),
        pltpu.VMEM((LANES,), jnp.float32),
        pltpu.SemaphoreType.DMA,
        pltpu.SemaphoreType.DMA,
    ],
    compiler_params=pltpu.CompilerParams(needs_layout_passes=False),
)
def _router_partials(gl_hbm, out_hbm, buf0, buf1, ovec, sem0, sem1):
    wid = lax.axis_index("c") * NS + lax.axis_index("s")
    base_tile = wid * TILES_PER_W
    iota = lax.iota(jnp.int32, LANES)

    bufs = (buf0, buf1)
    sems = (sem0, sem1)

    def merge(a1, b1, a2, b2):
        return (jnp.maximum(a1, a2),
                jnp.maximum(jnp.minimum(a1, a2), jnp.maximum(b1, b2)))

    def chunk_loop(buf, carry):
        def body(g, carry):
            cnts, pss = carry
            tl = g // GPT
            off = (g % GPT) * LANES
            xs = [buf[tl, e, pl.ds(off, LANES)] for e in range(E)]
            a = [jnp.maximum(xs[2 * i], xs[2 * i + 1]) for i in range(4)]
            b = [jnp.minimum(xs[2 * i], xs[2 * i + 1]) for i in range(4)]
            a01, b01 = merge(a[0], b[0], a[1], b[1])
            a23, b23 = merge(a[2], b[2], a[3], b[3])
            _, m2 = merge(a01, b01, a23, b23)
            es = [jnp.exp(x) for x in xs]
            denom = ((es[0] + es[1]) + (es[2] + es[3])) + (
                (es[4] + es[5]) + (es[6] + es[7]))
            r = 1.0 / denom
            pss = tuple(pss[e] + es[e] * r for e in range(E - 1))
            cnts = tuple(
                cnts[e] + jnp.where(xs[e] >= m2, 1.0, 0.0)
                for e in range(E - 1))
            return cnts, pss

        return lax.fori_loop(0, GROUPS, body, carry)

    zero = jnp.zeros((LANES,), jnp.float32)
    carry = (tuple(zero for _ in range(E - 1)),
             tuple(zero for _ in range(E - 1)))

    def start(k, b):
        off = base_tile + jnp.minimum(k, NCHUNK - 1) * CHUNK_TILES
        pltpu.async_copy(gl_hbm.at[pl.ds(off, CHUNK_TILES)], bufs[b], sems[b])

    def wait(b):
        pltpu.make_async_copy(
            gl_hbm.at[pl.ds(base_tile, CHUNK_TILES)], bufs[b], sems[b]).wait()

    start(0, 0)
    start(1, 1)

    def pair(p, carry):
        wait(0)
        carry = chunk_loop(bufs[0], carry)
        start(2 * p + 2, 0)
        wait(1)
        carry = chunk_loop(bufs[1], carry)
        start(2 * p + 3, 1)
        return carry

    carry = lax.fori_loop(0, NCHUNK // 2, pair, carry)
    wait(0)
    wait(1)

    cnts, pss = carry
    ov = jnp.zeros((LANES,), jnp.float32)
    cnt_s = [jnp.sum(cnts[e]) for e in range(E - 1)]
    ps_s = [jnp.sum(pss[e]) for e in range(E - 1)]
    ntok = jnp.float32(TILES_PER_W * TILE_TOK)
    cnt_s.append(2.0 * ntok - sum(cnt_s))
    ps_s.append(ntok - sum(ps_s))
    for e in range(E):
        ov = jnp.where(iota == e, cnt_s[e], ov)
        ov = jnp.where(iota == (E + e), ps_s[e], ov)
    ovec[...] = ov
    pltpu.sync_copy(ovec, out_hbm.at[pl.ds(wid * LANES, LANES)])


def _tc_body(x_ref, out_ref):
    i = pl.program_id(0)
    x = x_ref[...]
    m1 = jnp.max(x, axis=1, keepdims=True)
    xm = jnp.where(x == m1, -jnp.inf, x)
    m2 = jnp.max(xm, axis=1, keepdims=True)
    cnt = jnp.sum(jnp.where(x >= m2, 1.0, 0.0), axis=0)
    p = jnp.exp(x)
    r = 1.0 / jnp.sum(p, axis=1, keepdims=True)
    ps = jnp.sum(p * r, axis=0)
    both = jnp.stack([cnt, ps])

    @pl.when(i == 0)
    def _():
        out_ref[...] = both

    @pl.when(i != 0)
    def _():
        out_ref[...] = out_ref[...] + both


_tc_partials = pl.pallas_call(
    _tc_body,
    grid=(TC_BLOCKS,),
    in_specs=[pl.BlockSpec((TC_BT, E, TILE_TOK),
                           lambda i: (SC_TILES // TC_BT + i, 0, 0))],
    out_specs=pl.BlockSpec((2, E, TILE_TOK), lambda i: (0, 0, 0)),
    out_shape=jax.ShapeDtypeStruct((2, E, TILE_TOK), jnp.float32),
)


def _fold_body(parts_ref, tc_ref, out_ref):
    x = parts_ref[...].reshape(4, TILE_TOK)
    v = jnp.sum(x, axis=0, keepdims=True)
    v = v[:, :64] + v[:, 64:]
    v = v[:, :32] + v[:, 32:]
    v = v[:, :16] + v[:, 16:]
    tc = jnp.sum(tc_ref[...], axis=-1)
    a = v[:, :E] + tc[0:1, :]
    b = v[:, E:] + tc[1:2, :]
    out_ref[0, 0] = jnp.sum(a * b) * ALPHA


_fold = pl.pallas_call(
    _fold_body,
    in_specs=[pl.BlockSpec(memory_space=pltpu.VMEM),
              pl.BlockSpec(memory_space=pltpu.VMEM)],
    out_specs=pl.BlockSpec(memory_space=pltpu.SMEM),
    out_shape=jax.ShapeDtypeStruct((1, 1), jnp.float32),
)


def kernel(gate_logits):
    packed = gate_logits.reshape(NTILES, TILE_TOK, E).transpose(0, 2, 1)
    parts = _router_partials(packed)
    tc_parts = _tc_partials(packed)
    return _fold(parts, tc_parts)[0, 0]

# --- scband reference (transcript-rebuilt; emitter-appended) ---
"""Pipeline reference for scband-mixtral-router-loss-46883863003221 (READ-ONLY COPY).

The authoritative reference and input builder live on the scoring server;
editing this copy changes nothing except your own understanding.
"""

import jax, jax.numpy as jnp
import numpy as np

NUM_EXPERTS = 8
TOP_K = 2
AUX_LOSS_COEF = 0.01


def setup_inputs(seed: int = 0) -> dict:
    key = jax.random.key(seed)
    gate_logits = jax.random.normal(key, (1048576, NUM_EXPERTS), dtype=jnp.float32)
    return {"gate_logits": gate_logits}


def reference(gate_logits):
    # torch.cat(gate_logits, dim=0): inputs are already pre-concatenated into a single
    # [total_tokens, num_experts] tensor, so concatenation of the single-element list is identity.
    concatenated_gate_logits = gate_logits
    routing_weights = jax.nn.softmax(concatenated_gate_logits, axis=-1)
    _, selected_experts = jax.lax.top_k(routing_weights, TOP_K)  # [T, top_k]
    expert_mask = jax.nn.one_hot(selected_experts, NUM_EXPERTS, dtype=jnp.float32)  # [T, top_k, E]
    tokens_per_expert = jnp.mean(expert_mask, axis=0)  # [top_k, E]
    router_prob_per_expert = jnp.mean(routing_weights, axis=0)  # [E]
    overall_loss = jnp.sum(tokens_per_expert * router_prob_per_expert[None, :])
    return AUX_LOSS_COEF * overall_loss * NUM_EXPERTS

if __name__ == "__main__":
    import jax
    _d = setup_inputs()
    print(jax.jit(kernel)(*tuple(_d.values())))

</pallas_src>

<mosaic_0001>
#map = affine_map<(d0, d1) -> (0, 0, 0)>
#map1 = affine_map<(d0, d1) -> (0)>
module attributes {stable_mosaic.version = 14 : i64} {
  func.func @_router_partials(%arg0: i32, %arg1: i32, %arg2: memref<8192x8x128xf32, #tpu.memory_space<hbm>>, %arg3: memref<512xf32, #tpu.memory_space<hbm>>, %arg4: memref<28x8x128xf32, #tpu.memory_space<vmem>>, %arg5: memref<28x8x128xf32, #tpu.memory_space<vmem>>, %arg6: memref<16xf32, #tpu.memory_space<vmem>>, %arg7: memref<!tpu.dma_semaphore, #tpu.memory_space<semaphore_mem>>, %arg8: memref<!tpu.dma_semaphore, #tpu.memory_space<semaphore_mem>>) attributes {dimension_semantics = [#tpu.dimension_semantics<core_parallel>, #tpu.dimension_semantics<subcore_parallel>], iteration_bounds = array<i64: 2, 16>, scalar_prefetch = 0 : i64, scratch_operands = 5 : i64, tpu.core_type = #tpu.core_type<sc_vector_subcore>, window_params = [{transform_indices = #map}, {transform_indices = #map1}]} {
    %mul3A = arith.constant 16 : i32
    %mul3A_0 = arith.muli %arg0, %mul3A : i32
    %add3A = arith.addi %mul3A_0, %arg1 : i32
    %mul3A_1 = arith.constant 224 : i32
    %mul3A_2 = arith.muli %add3A, %mul3A_1 : i32
    %iota3A = tpu.iota {dimensions = array<i32: 0>} : vector<16xi32>
    %broadcast_in_dim3A = arith.constant 0.000000e+00 : f32
    %broadcast_in_dim3A_3 = vector.broadcast %broadcast_in_dim3A : f32 to vector<16xf32>
    %min3A = arith.constant 0 : i32
    %min3A_4 = arith.constant 7 : i32
    %min3A_5 = arith.minsi %min3A, %min3A_4 : i32
    %mul3A_6 = arith.constant 28 : i32
    %mul3A_7 = arith.muli %min3A_5, %mul3A_6 : i32
    %add3A_8 = arith.addi %mul3A_2, %mul3A_7 : i32
    %dma_start3A = arith.constant 0 : i32
    %dma_start3A_9 = arith.constant 0 : i32
    %dma_start3A_10 = tpu.memref_slice %arg2[%add3A_8, %dma_start3A, %dma_start3A_9] : memref<8192x8x128xf32, #tpu.memory_space<hbm>> -> memref<28x8x128xf32, #tpu.memory_space<hbm>>
    %dma_start3A_11 = arith.constant 0 : i32
    %dma_start3A_12 = arith.constant 0 : i32
    %dma_start3A_13 = tpu.memref_slice %arg2[%add3A_8, %dma_start3A_11, %dma_start3A_12] : memref<8192x8x128xf32, #tpu.memory_space<hbm>> -> memref<28x8x128xf32, #tpu.memory_space<hbm>>
    tpu.enqueue_dma source(%dma_start3A_13 : memref<28x8x128xf32, #tpu.memory_space<hbm>>) target(%arg4 : memref<28x8x128xf32, #tpu.memory_space<vmem>>) target_semaphore(%arg7 : memref<!tpu.dma_semaphore, #tpu.memory_space<semaphore_mem>>)
    %min3A_14 = arith.constant 1 : i32
    %min3A_15 = arith.constant 7 : i32
    %min3A_16 = arith.minsi %min3A_14, %min3A_15 : i32
    %mul3A_17 = arith.constant 28 : i32
    %mul3A_18 = arith.muli %min3A_16, %mul3A_17 : i32
    %add3A_19 = arith.addi %mul3A_2, %mul3A_18 : i32
    %dma_start3A_20 = arith.constant 0 : i32
    %dma_start3A_21 = arith.constant 0 : i32
    %dma_start3A_22 = tpu.memref_slice %arg2[%add3A_19, %dma_start3A_20, %dma_start3A_21] : memref<8192x8x128xf32, #tpu.memory_space<hbm>> -> memref<28x8x128xf32, #tpu.memory_space<hbm>>
    %dma_start3A_23 = arith.constant 0 : i32
    %dma_start3A_24 = arith.constant 0 : i32
    %dma_start3A_25 = tpu.memref_slice %arg2[%add3A_19, %dma_start3A_23, %dma_start3A_24] : memref<8192x8x128xf32, #tpu.memory_space<hbm>> -> memref<28x8x128xf32, #tpu.memory_space<hbm>>
    tpu.enqueue_dma source(%dma_start3A_25 : memref<28x8x128xf32, #tpu.memory_space<hbm>>) target(%arg5 : memref<28x8x128xf32, #tpu.memory_space<vmem>>) target_semaphore(%arg8 : memref<!tpu.dma_semaphore, #tpu.memory_space<semaphore_mem>>)
    %scan3A = arith.constant 0 : i32
    %scan3A_26 = arith.constant 4 : i32
    %scan3A_27 = arith.addi %scan3A, %scan3A_26 : i32
    %scan3A_28 = arith.constant 1 : i32
    %scan3A_29:14 = scf.for %scan3A_201 = %scan3A to %scan3A_27 step %scan3A_28 iter_args(%scan3A_202 = %broadcast_in_dim3A_3, %scan3A_203 = %broadcast_in_dim3A_3, %scan3A_204 = %broadcast_in_dim3A_3, %scan3A_205 = %broadcast_in_dim3A_3, %scan3A_206 = %broadcast_in_dim3A_3, %scan3A_207 = %broadcast_in_dim3A_3, %scan3A_208 = %broadcast_in_dim3A_3, %scan3A_209 = %broadcast_in_dim3A_3, %scan3A_210 = %broadcast_in_dim3A_3, %scan3A_211 = %broadcast_in_dim3A_3, %scan3A_212 = %broadcast_in_dim3A_3, %scan3A_213 = %broadcast_in_dim3A_3, %scan3A_214 = %broadcast_in_dim3A_3, %scan3A_215 = %broadcast_in_dim3A_3) -> (vector<16xf32>, vector<16xf32>, vector<16xf32>, vector<16xf32>, vector<16xf32>, vector<16xf32>, vector<16xf32>, vector<16xf32>, vector<16xf32>, vector<16xf32>, vector<16xf32>, vector<16xf32>, vector<16xf32>, vector<16xf32>)  : i32 {
      %dma_wait3A_216 = arith.constant 0 : i32
      %dma_wait3A_217 = arith.constant 0 : i32
      %dma_wait3A_218 = tpu.memref_slice %arg2[%mul3A_2, %dma_wait3A_216, %dma_wait3A_217] : memref<8192x8x128xf32, #tpu.memory_space<hbm>> -> memref<28x8x128xf32, #tpu.memory_space<hbm>>
      %dma_wait3A_219 = arith.constant 0 : i32
      %dma_wait3A_220 = arith.constant 0 : i32
      %dma_wait3A_221 = tpu.memref_slice %arg2[%mul3A_2, %dma_wait3A_219, %dma_wait3A_220] : memref<8192x8x128xf32, #tpu.memory_space<hbm>> -> memref<28x8x128xf32, #tpu.memory_space<hbm>>
      tpu.wait_dma2 semaphore(%arg7 : memref<!tpu.dma_semaphore, #tpu.memory_space<semaphore_mem>>) src(%dma_wait3A_221 : memref<28x8x128xf32, #tpu.memory_space<hbm>>) dst(%arg4 : memref<28x8x128xf32, #tpu.memory_space<vmem>>)
      %scan3A_222 = arith.constant 0 : i32
      %scan3A_223 = arith.constant 224 : i32
      %scan3A_224 = arith.addi %scan3A_222, %scan3A_223 : i32
      %scan3A_225 = arith.constant 1 : i32
      %scan3A_226:14 = scf.for %scan3A_270 = %scan3A_222 to %scan3A_224 step %scan3A_225 iter_args(%scan3A_271 = %scan3A_202, %scan3A_272 = %scan3A_203, %scan3A_273 = %scan3A_204, %scan3A_274 = %scan3A_205, %scan3A_275 = %scan3A_206, %scan3A_276 = %scan3A_207, %scan3A_277 = %scan3A_208, %scan3A_278 = %scan3A_209, %scan3A_279 = %scan3A_210, %scan3A_280 = %scan3A_211, %scan3A_281 = %scan3A_212, %scan3A_282 = %scan3A_213, %scan3A_283 = %scan3A_214, %scan3A_284 = %scan3A_215) -> (vector<16xf32>, vector<16xf32>, vector<16xf32>, vector<16xf32>, vector<16xf32>, vector<16xf32>, vector<16xf32>, vector<16xf32>, vector<16xf32>, vector<16xf32>, vector<16xf32>, vector<16xf32>, vector<16xf32>, vector<16xf32>)  : i32 {
        %jit3A = arith.constant 8 : i32
        %div3A = arith.divsi %scan3A_270, %jit3A : i32
        %sign3A = arith.constant 0 : i32
        %sign3A_285 = arith.cmpi sgt, %scan3A_270, %sign3A : i32
        %sign3A_286 = arith.extui %sign3A_285 : i1 to i32
        %sign3A_287 = arith.constant 0 : i32
        %sign3A_288 = arith.cmpi slt, %scan3A_270, %sign3A_287 : i32
        %sign3A_289 = arith.extui %sign3A_288 : i1 to i32
        %sign3A_290 = arith.subi %sign3A_286, %sign3A_289 : i32
        %sign3A_291 = arith.constant 0 : i32
        %sign3A_292 = arith.cmpi sgt, %jit3A, %sign3A_291 : i32
        %sign3A_293 = arith.extui %sign3A_292 : i1 to i32
        %sign3A_294 = arith.constant 0 : i32
        %sign3A_295 = arith.cmpi slt, %jit3A, %sign3A_294 : i32
        %sign3A_296 = arith.extui %sign3A_295 : i1 to i32
        %sign3A_297 = arith.subi %sign3A_293, %sign3A_296 : i32
        %ne3A = arith.cmpi ne, %sign3A_290, %sign3A_297 : i32
        %rem3A = arith.remsi %scan3A_270, %jit3A : i32
        %ne3A_298 = arith.constant 0 : i32
        %ne3A_299 = arith.cmpi ne, %rem3A, %ne3A_298 : i32
        %and3A = arith.andi %ne3A, %ne3A_299 : i1
        %sub3A_300 = arith.constant 1 : i32
        %sub3A_301 = arith.subi %div3A, %sub3A_300 : i32
        %select_n3A_302 = arith.select %and3A, %sub3A_301, %div3A : i32
        %jit3A_303 = arith.constant 8 : i32
        %eq3A_304 = arith.constant 0 : i32
        %eq3A_305 = arith.cmpi eq, %jit3A_303, %eq3A_304 : i32
        %jit3A_306 = arith.constant 1 : i32
        %select_n3A_307 = arith.select %eq3A_305, %jit3A_306, %jit3A_303 : i32
        %rem3A_308 = arith.remsi %scan3A_270, %select_n3A_307 : i32
        %ne3A_309 = arith.constant 0 : i32
        %ne3A_310 = arith.cmpi ne, %rem3A_308, %ne3A_309 : i32
        %lt3A = arith.constant 0 : i32
        %lt3A_311 = arith.cmpi slt, %rem3A_308, %lt3A : i32
        %lt3A_312 = arith.constant 0 : i32
        %lt3A_313 = arith.cmpi slt, %select_n3A_307, %lt3A_312 : i32
        %ne3A_314 = arith.xori %lt3A_311, %lt3A_313 : i1
        %and3A_315 = arith.andi %ne3A_314, %ne3A_310 : i1
        %add3A_316 = arith.addi %rem3A_308, %select_n3A_307 : i32
        %select_n3A_317 = arith.select %and3A_315, %add3A_316, %rem3A_308 : i32
        %mul3A_318 = arith.constant 16 : i32
        %mul3A_319 = arith.muli %select_n3A_317, %mul3A_318 : i32
        %get3A = arith.constant 0 : i32
        %get3A_320 = arith.index_cast %select_n3A_302 : i32 to index
        %get3A_321 = arith.index_cast %get3A : i32 to index
        %get3A_322 = arith.index_cast %mul3A_319 : i32 to index
        %get3A_323 = tpu.vector_load %arg4[%get3A_320, %get3A_321, %get3A_322] {strides = array<i32>} : memref<28x8x128xf32, #tpu.memory_space<vmem>>, vector<16xf32>,
        %get3A_324 = arith.constant 1 : i32
        %get3A_325 = arith.index_cast %select_n3A_302 : i32 to index
        %get3A_326 = arith.index_cast %get3A_324 : i32 to index
        %get3A_327 = arith.index_cast %mul3A_319 : i32 to index
        %get3A_328 = tpu.vector_load %arg4[%get3A_325, %get3A_326, %get3A_327] {strides = array<i32>} : memref<28x8x128xf32, #tpu.memory_space<vmem>>, vector<16xf32>,
        %get3A_329 = arith.constant 2 : i32
        %get3A_330 = arith.index_cast %select_n3A_302 : i32 to index
        %get3A_331 = arith.index_cast %get3A_329 : i32 to index
        %get3A_332 = arith.index_cast %mul3A_319 : i32 to index
        %get3A_333 = tpu.vector_load %arg4[%get3A_330, %get3A_331, %get3A_332] {strides = array<i32>} : memref<28x8x128xf32, #tpu.memory_space<vmem>>, vector<16xf32>,
        %get3A_334 = arith.constant 3 : i32
        %get3A_335 = arith.index_cast %select_n3A_302 : i32 to index
        %get3A_336 = arith.index_cast %get3A_334 : i32 to index
        %get3A_337 = arith.index_cast %mul3A_319 : i32 to index
        %get3A_338 = tpu.vector_load %arg4[%get3A_335, %get3A_336, %get3A_337] {strides = array<i32>} : memref<28x8x128xf32, #tpu.memory_space<vmem>>, vector<16xf32>,
        %get3A_339 = arith.constant 4 : i32
        %get3A_340 = arith.index_cast %select_n3A_302 : i32 to index
        %get3A_341 = arith.index_cast %get3A_339 : i32 to index
        %get3A_342 = arith.index_cast %mul3A_319 : i32 to index
        %get3A_343 = tpu.vector_load %arg4[%get3A_340, %get3A_341, %get3A_342] {strides = array<i32>} : memref<28x8x128xf32, #tpu.memory_space<vmem>>, vector<16xf32>,
        %get3A_344 = arith.constant 5 : i32
        %get3A_345 = arith.index_cast %select_n3A_302 : i32 to index
        %get3A_346 = arith.index_cast %get3A_344 : i32 to index
        %get3A_347 = arith.index_cast %mul3A_319 : i32 to index
        %get3A_348 = tpu.vector_load %arg4[%get3A_345, %get3A_346, %get3A_347] {strides = array<i32>} : memref<28x8x128xf32, #tpu.memory_space<vmem>>, vector<16xf32>,
        %get3A_349 = arith.constant 6 : i32
        %get3A_350 = arith.index_cast %select_n3A_302 : i32 to index
        %get3A_351 = arith.index_cast %get3A_349 : i32 to index
        %get3A_352 = arith.index_cast %mul3A_319 : i32 to index
        %get3A_353 = tpu.vector_load %arg4[%get3A_350, %get3A_351, %get3A_352] {strides = array<i32>} : memref<28x8x128xf32, #tpu.memory_space<vmem>>, vector<16xf32>,
        %get3A_354 = arith.constant 7 : i32
        %get3A_355 = arith.index_cast %select_n3A_302 : i32 to index
        %get3A_356 = arith.index_cast %get3A_354 : i32 to index
        %get3A_357 = arith.index_cast %mul3A_319 : i32 to index
        %get3A_358 = tpu.vector_load %arg4[%get3A_355, %get3A_356, %get3A_357] {strides = array<i32>} : memref<28x8x128xf32, #tpu.memory_space<vmem>>, vector<16xf32>,
        %max3A = arith.maximumf %get3A_323, %get3A_328 : vector<16xf32>
        %max3A_359 = arith.maximumf %get3A_333, %get3A_338 : vector<16xf32>
        %max3A_360 = arith.maximumf %get3A_343, %get3A_348 : vector<16xf32>
        %max3A_361 = arith.maximumf %get3A_353, %get3A_358 : vector<16xf32>
        %min3A_362 = arith.minimumf %get3A_323, %get3A_328 : vector<16xf32>
        %min3A_363 = arith.minimumf %get3A_333, %get3A_338 : vector<16xf32>
        %min3A_364 = arith.minimumf %get3A_343, %get3A_348 : vector<16xf32>
        %min3A_365 = arith.minimumf %get3A_353, %get3A_358 : vector<16xf32>
        %max3A_366 = arith.maximumf %max3A, %max3A_359 : vector<16xf32>
        %min3A_367 = arith.minimumf %max3A, %max3A_359 : vector<16xf32>
        %max3A_368 = arith.maximumf %min3A_362, %min3A_363 : vector<16xf32>
        %max3A_369 = arith.maximumf %min3A_367, %max3A_368 : vector<16xf32>
        %max3A_370 = arith.maximumf %max3A_360, %max3A_361 : vector<16xf32>
        %min3A_371 = arith.minimumf %max3A_360, %max3A_361 : vector<16xf32>
        %max3A_372 = arith.maximumf %min3A_364, %min3A_365 : vector<16xf32>
        %max3A_373 = arith.maximumf %min3A_371, %max3A_372 : vector<16xf32>
        %max3A_374 = arith.maximumf %max3A_366, %max3A_370 : vector<16xf32>
        %min3A_375 = arith.minimumf %max3A_366, %max3A_370 : vector<16xf32>
        %max3A_376 = arith.maximumf %max3A_369, %max3A_373 : vector<16xf32>
        %max3A_377 = arith.maximumf %min3A_375, %max3A_376 : vector<16xf32>
        %exp3A = math.exp %get3A_323 : vector<16xf32>
        %exp3A_378 = math.exp %get3A_328 : vector<16xf32>
        %exp3A_379 = math.exp %get3A_333 : vector<16xf32>
        %exp3A_380 = math.exp %get3A_338 : vector<16xf32>
        %exp3A_381 = math.exp %get3A_343 : vector<16xf32>
        %exp3A_382 = math.exp %get3A_348 : vector<16xf32>
        %exp3A_383 = math.exp %get3A_353 : vector<16xf32>
        %exp3A_384 = math.exp %get3A_358 : vector<16xf32>
        %add3A_385 = arith.addf %exp3A, %exp3A_378 : vector<16xf32>
        %add3A_386 = arith.addf %exp3A_379, %exp3A_380 : vector<16xf32>
        %add3A_387 = arith.addf %add3A_385, %add3A_386 : vector<16xf32>
        %add3A_388 = arith.addf %exp3A_381, %exp3A_382 : vector<16xf32>
        %add3A_389 = arith.addf %exp3A_383, %exp3A_384 : vector<16xf32>
        %add3A_390 = arith.addf %add3A_388, %add3A_389 : vector<16xf32>
        %add3A_391 = arith.addf %add3A_387, %add3A_390 : vector<16xf32>
        %div3A_392 = arith.constant 1.000000e+00 : f32
        %div3A_393 = vector.broadcast %div3A_392 : f32 to vector<16xf32>
        %div3A_394 = arith.divf %div3A_393, %add3A_391 : vector<16xf32>
        %mul3A_395 = arith.mulf %exp3A, %div3A_394 : vector<16xf32>
        %add3A_396 = arith.addf %scan3A_278, %mul3A_395 : vector<16xf32>
        %mul3A_397 = arith.mulf %exp3A_378, %div3A_394 : vector<16xf32>
        %add3A_398 = arith.addf %scan3A_279, %mul3A_397 : vector<16xf32>
        %mul3A_399 = arith.mulf %exp3A_379, %div3A_394 : vector<16xf32>
        %add3A_400 = arith.addf %scan3A_280, %mul3A_399 : vector<16xf32>
        %mul3A_401 = arith.mulf %exp3A_380, %div3A_394 : vector<16xf32>
        %add3A_402 = arith.addf %scan3A_281, %mul3A_401 : vector<16xf32>
        %mul3A_403 = arith.mulf %exp3A_381, %div3A_394 : vector<16xf32>
        %add3A_404 = arith.addf %scan3A_282, %mul3A_403 : vector<16xf32>
        %mul3A_405 = arith.mulf %exp3A_382, %div3A_394 : vector<16xf32>
        %add3A_406 = arith.addf %scan3A_283, %mul3A_405 : vector<16xf32>
        %mul3A_407 = arith.mulf %exp3A_383, %div3A_394 : vector<16xf32>
        %add3A_408 = arith.addf %scan3A_284, %mul3A_407 : vector<16xf32>
        %ge3A = arith.cmpf oge, %get3A_323, %max3A_377 : vector<16xf32>
        %jit3A_409 = arith.constant 1.000000e+00 : f32
        %jit3A_410 = arith.constant 0.000000e+00 : f32
        %broadcast_in_dim3A_411 = vector.broadcast %jit3A_409 : f32 to vector<16xf32>
        %broadcast_in_dim3A_412 = vector.broadcast %jit3A_410 : f32 to vector<16xf32>
        %select_n3A_413 = arith.select %ge3A, %broadcast_in_dim3A_411, %broadcast_in_dim3A_412 : vector<16xi1>, vector<16xf32>
        %add3A_414 = arith.addf %scan3A_271, %select_n3A_413 : vector<16xf32>
        %ge3A_415 = arith.cmpf oge, %get3A_328, %max3A_377 : vector<16xf32>
        %jit3A_416 = arith.constant 1.000000e+00 : f32
        %jit3A_417 = arith.constant 0.000000e+00 : f32
        %broadcast_in_dim3A_418 = vector.broadcast %jit3A_416 : f32 to vector<16xf32>
        %broadcast_in_dim3A_419 = vector.broadcast %jit3A_417 : f32 to vector<16xf32>
        %select_n3A_420 = arith.select %ge3A_415, %broadcast_in_dim3A_418, %broadcast_in_dim3A_419 : vector<16xi1>, vector<16xf32>
        %add3A_421 = arith.addf %scan3A_272, %select_n3A_420 : vector<16xf32>
        %ge3A_422 = arith.cmpf oge, %get3A_333, %max3A_377 : vector<16xf32>
        %jit3A_423 = arith.constant 1.000000e+00 : f32
        %jit3A_424 = arith.constant 0.000000e+00 : f32
        %broadcast_in_dim3A_425 = vector.broadcast %jit3A_423 : f32 to vector<16xf32>
        %broadcast_in_dim3A_426 = vector.broadcast %jit3A_424 : f32 to vector<16xf32>
        %select_n3A_427 = arith.select %ge3A_422, %broadcast_in_dim3A_425, %broadcast_in_dim3A_426 : vector<16xi1>, vector<16xf32>
        %add3A_428 = arith.addf %scan3A_273, %select_n3A_427 : vector<16xf32>
        %ge3A_429 = arith.cmpf oge, %get3A_338, %max3A_377 : vector<16xf32>
        %jit3A_430 = arith.constant 1.000000e+00 : f32
        %jit3A_431 = arith.constant 0.000000e+00 : f32
        %broadcast_in_dim3A_432 = vector.broadcast %jit3A_430 : f32 to vector<16xf32>
        %broadcast_in_dim3A_433 = vector.broadcast %jit3A_431 : f32 to vector<16xf32>
        %select_n3A_434 = arith.select %ge3A_429, %broadcast_in_dim3A_432, %broadcast_in_dim3A_433 : vector<16xi1>, vector<16xf32>
        %add3A_435 = arith.addf %scan3A_274, %select_n3A_434 : vector<16xf32>
        %ge3A_436 = arith.cmpf oge, %get3A_343, %max3A_377 : vector<16xf32>
        %jit3A_437 = arith.constant 1.000000e+00 : f32
        %jit3A_438 = arith.constant 0.000000e+00 : f32
        %broadcast_in_dim3A_439 = vector.broadcast %jit3A_437 : f32 to vector<16xf32>
        %broadcast_in_dim3A_440 = vector.broadcast %jit3A_438 : f32 to vector<16xf32>
        %select_n3A_441 = arith.select %ge3A_436, %broadcast_in_dim3A_439, %broadcast_in_dim3A_440 : vector<16xi1>, vector<16xf32>
        %add3A_442 = arith.addf %scan3A_275, %select_n3A_441 : vector<16xf32>
        %ge3A_443 = arith.cmpf oge, %get3A_348, %max3A_377 : vector<16xf32>
        %jit3A_444 = arith.constant 1.000000e+00 : f32
        %jit3A_445 = arith.constant 0.000000e+00 : f32
        %broadcast_in_dim3A_446 = vector.broadcast %jit3A_444 : f32 to vector<16xf32>
        %broadcast_in_dim3A_447 = vector.broadcast %jit3A_445 : f32 to vector<16xf32>
        %select_n3A_448 = arith.select %ge3A_443, %broadcast_in_dim3A_446, %broadcast_in_dim3A_447 : vector<16xi1>, vector<16xf32>
        %add3A_449 = arith.addf %scan3A_276, %select_n3A_448 : vector<16xf32>
        %ge3A_450 = arith.cmpf oge, %get3A_353, %max3A_377 : vector<16xf32>
        %jit3A_451 = arith.constant 1.000000e+00 : f32
        %jit3A_452 = arith.constant 0.000000e+00 : f32
        %broadcast_in_dim3A_453 = vector.broadcast %jit3A_451 : f32 to vector<16xf32>
        %broadcast_in_dim3A_454 = vector.broadcast %jit3A_452 : f32 to vector<16xf32>
        %select_n3A_455 = arith.select %ge3A_450, %broadcast_in_dim3A_453, %broadcast_in_dim3A_454 : vector<16xi1>, vector<16xf32>
        %add3A_456 = arith.addf %scan3A_277, %select_n3A_455 : vector<16xf32>
        scf.yield %add3A_414, %add3A_421, %add3A_428, %add3A_435, %add3A_442, %add3A_449, %add3A_456, %add3A_396, %add3A_398, %add3A_400, %add3A_402, %add3A_404, %add3A_406, %add3A_408 : vector<16xf32>, vector<16xf32>, vector<16xf32>, vector<16xf32>, vector<16xf32>, vector<16xf32>, vector<16xf32>, vector<16xf32>, vector<16xf32>, vector<16xf32>, vector<16xf32>, vector<16xf32>, vector<16xf32>, vector<16xf32>
      }
      %scan3A_227 = arith.constant 224 : i32
      %mul3A_228 = arith.constant 2 : i32
      %mul3A_229 = arith.muli %mul3A_228, %scan3A_201 : i32
      %add3A_230 = arith.constant 2 : i32
      %add3A_231 = arith.addi %mul3A_229, %add3A_230 : i32
      %min3A_232 = arith.constant 7 : i32
      %min3A_233 = arith.minsi %add3A_231, %min3A_232 : i32
      %mul3A_234 = arith.constant 28 : i32
      %mul3A_235 = arith.muli %min3A_233, %mul3A_234 : i32
      %add3A_236 = arith.addi %mul3A_2, %mul3A_235 : i32
      %dma_start3A_237 = arith.constant 0 : i32
      %dma_start3A_238 = arith.constant 0 : i32
      %dma_start3A_239 = tpu.memref_slice %arg2[%add3A_236, %dma_start3A_237, %dma_start3A_238] : memref<8192x8x128xf32, #tpu.memory_space<hbm>> -> memref<28x8x128xf32, #tpu.memory_space<hbm>>
      %dma_start3A_240 = arith.constant 0 : i32
      %dma_start3A_241 = arith.constant 0 : i32
      %dma_start3A_242 = tpu.memref_slice %arg2[%add3A_236, %dma_start3A_240, %dma_start3A_241] : memref<8192x8x128xf32, #tpu.memory_space<hbm>> -> memref<28x8x128xf32, #tpu.memory_space<hbm>>
      tpu.enqueue_dma source(%dma_start3A_242 : memref<28x8x128xf32, #tpu.memory_space<hbm>>) target(%arg4 : memref<28x8x128xf32, #tpu.memory_space<vmem>>) target_semaphore(%arg7 : memref<!tpu.dma_semaphore, #tpu.memory_space<semaphore_mem>>)
      %dma_wait3A_243 = arith.constant 0 : i32
      %dma_wait3A_244 = arith.constant 0 : i32
      %dma_wait3A_245 = tpu.memref_slice %arg2[%mul3A_2, %dma_wait3A_243, %dma_wait3A_244] : memref<8192x8x128xf32, #tpu.memory_space<hbm>> -> memref<28x8x128xf32, #tpu.memory_space<hbm>>
      %dma_wait3A_246 = arith.constant 0 : i32
      %dma_wait3A_247 = arith.constant 0 : i32
      %dma_wait3A_248 = tpu.memref_slice %arg2[%mul3A_2, %dma_wait3A_246, %dma_wait3A_247] : memref<8192x8x128xf32, #tpu.memory_space<hbm>> -> memref<28x8x128xf32, #tpu.memory_space<hbm>>
      tpu.wait_dma2 semaphore(%arg8 : memref<!tpu.dma_semaphore, #tpu.memory_space<semaphore_mem>>) src(%dma_wait3A_248 : memref<28x8x128xf32, #tpu.memory_space<hbm>>) dst(%arg5 : memref<28x8x128xf32, #tpu.memory_space<vmem>>)
      %scan3A_249 = arith.constant 0 : i32
      %scan3A_250 = arith.constant 224 : i32
      %scan3A_251 = arith.addi %scan3A_249, %scan3A_250 : i32
      %scan3A_252 = arith.constant 1 : i32
      %scan3A_253:14 = scf.for %scan3A_270 = %scan3A_249 to %scan3A_251 step %scan3A_252 iter_args(%scan3A_271 = %scan3A_226#0, %scan3A_272 = %scan3A_226#1, %scan3A_273 = %scan3A_226#2, %scan3A_274 = %scan3A_226#3, %scan3A_275 = %scan3A_226#4, %scan3A_276 = %scan3A_226#5, %scan3A_277 = %scan3A_226#6, %scan3A_278 = %scan3A_226#7, %scan3A_279 = %scan3A_226#8, %scan3A_280 = %scan3A_226#9, %scan3A_281 = %scan3A_226#10, %scan3A_282 = %scan3A_226#11, %scan3A_283 = %scan3A_226#12, %scan3A_284 = %scan3A_226#13) -> (vector<16xf32>, vector<16xf32>, vector<16xf32>, vector<16xf32>, vector<16xf32>, vector<16xf32>, vector<16xf32>, vector<16xf32>, vector<16xf32>, vector<16xf32>, vector<16xf32>, vector<16xf32>, vector<16xf32>, vector<16xf32>)  : i32 {
        %jit3A = arith.constant 8 : i32
        %div3A = arith.divsi %scan3A_270, %jit3A : i32
        %sign3A = arith.constant 0 : i32
        %sign3A_285 = arith.cmpi sgt, %scan3A_270, %sign3A : i32
        %sign3A_286 = arith.extui %sign3A_285 : i1 to i32
        %sign3A_287 = arith.constant 0 : i32
        %sign3A_288 = arith.cmpi slt, %scan3A_270, %sign3A_287 : i32
        %sign3A_289 = arith.extui %sign3A_288 : i1 to i32
        %sign3A_290 = arith.subi %sign3A_286, %sign3A_289 : i32
        %sign3A_291 = arith.constant 0 : i32
        %sign3A_292 = arith.cmpi sgt, %jit3A, %sign3A_291 : i32
        %sign3A_293 = arith.extui %sign3A_292 : i1 to i32
        %sign3A_294 = arith.constant 0 : i32
        %sign3A_295 = arith.cmpi slt, %jit3A, %sign3A_294 : i32
        %sign3A_296 = arith.extui %sign3A_295 : i1 to i32
        %sign3A_297 = arith.subi %sign3A_293, %sign3A_296 : i32
        %ne3A = arith.cmpi ne, %sign3A_290, %sign3A_297 : i32
        %rem3A = arith.remsi %scan3A_270, %jit3A : i32
        %ne3A_298 = arith.constant 0 : i32
        %ne3A_299 = arith.cmpi ne, %rem3A, %ne3A_298 : i32
        %and3A = arith.andi %ne3A, %ne3A_299 : i1
        %sub3A_300 = arith.constant 1 : i32
        %sub3A_301 = arith.subi %div3A, %sub3A_300 : i32
        %select_n3A_302 = arith.select %and3A, %sub3A_301, %div3A : i32
        %jit3A_303 = arith.constant 8 : i32
        %eq3A_304 = arith.constant 0 : i32
        %eq3A_305 = arith.cmpi eq, %jit3A_303, %eq3A_304 : i32
        %jit3A_306 = arith.constant 1 : i32
        %select_n3A_307 = arith.select %eq3A_305, %jit3A_306, %jit3A_303 : i32
        %rem3A_308 = arith.remsi %scan3A_270, %select_n3A_307 : i32
        %ne3A_309 = arith.constant 0 : i32
        %ne3A_310 = arith.cmpi ne, %rem3A_308, %ne3A_309 : i32
        %lt3A = arith.constant 0 : i32
        %lt3A_311 = arith.cmpi slt, %rem3A_308, %lt3A : i32
        %lt3A_312 = arith.constant 0 : i32
        %lt3A_313 = arith.cmpi slt, %select_n3A_307, %lt3A_312 : i32
        %ne3A_314 = arith.xori %lt3A_311, %lt3A_313 : i1
        %and3A_315 = arith.andi %ne3A_314, %ne3A_310 : i1
        %add3A_316 = arith.addi %rem3A_308, %select_n3A_307 : i32
        %select_n3A_317 = arith.select %and3A_315, %add3A_316, %rem3A_308 : i32
        %mul3A_318 = arith.constant 16 : i32
        %mul3A_319 = arith.muli %select_n3A_317, %mul3A_318 : i32
        %get3A = arith.constant 0 : i32
        %get3A_320 = arith.index_cast %select_n3A_302 : i32 to index
        %get3A_321 = arith.index_cast %get3A : i32 to index
        %get3A_322 = arith.index_cast %mul3A_319 : i32 to index
        %get3A_323 = tpu.vector_load %arg5[%get3A_320, %get3A_321, %get3A_322] {strides = array<i32>} : memref<28x8x128xf32, #tpu.memory_space<vmem>>, vector<16xf32>,
        %get3A_324 = arith.constant 1 : i32
        %get3A_325 = arith.index_cast %select_n3A_302 : i32 to index
        %get3A_326 = arith.index_cast %get3A_324 : i32 to index
        %get3A_327 = arith.index_cast %mul3A_319 : i32 to index
        %get3A_328 = tpu.vector_load %arg5[%get3A_325, %get3A_326, %get3A_327] {strides = array<i32>} : memref<28x8x128xf32, #tpu.memory_space<vmem>>, vector<16xf32>,
        %get3A_329 = arith.constant 2 : i32
        %get3A_330 = arith.index_cast %select_n3A_302 : i32 to index
        %get3A_331 = arith.index_cast %get3A_329 : i32 to index
        %get3A_332 = arith.index_cast %mul3A_319 : i32 to index
        %get3A_333 = tpu.vector_load %arg5[%get3A_330, %get3A_331, %get3A_332] {strides = array<i32>} : memref<28x8x128xf32, #tpu.memory_space<vmem>>, vector<16xf32>,
        %get3A_334 = arith.constant 3 : i32
        %get3A_335 = arith.index_cast %select_n3A_302 : i32 to index
        %get3A_336 = arith.index_cast %get3A_334 : i32 to index
        %get3A_337 = arith.index_cast %mul3A_319 : i32 to index
        %get3A_338 = tpu.vector_load %arg5[%get3A_335, %get3A_336, %get3A_337] {strides = array<i32>} : memref<28x8x128xf32, #tpu.memory_space<vmem>>, vector<16xf32>,
        %get3A_339 = arith.constant 4 : i32
        %get3A_340 = arith.index_cast %select_n3A_302 : i32 to index
        %get3A_341 = arith.index_cast %get3A_339 : i32 to index
        %get3A_342 = arith.index_cast %mul3A_319 : i32 to index
        %get3A_343 = tpu.vector_load %arg5[%get3A_340, %get3A_341, %get3A_342] {strides = array<i32>} : memref<28x8x128xf32, #tpu.memory_space<vmem>>, vector<16xf32>,
        %get3A_344 = arith.constant 5 : i32
        %get3A_345 = arith.index_cast %select_n3A_302 : i32 to index
        %get3A_346 = arith.index_cast %get3A_344 : i32 to index
        %get3A_347 = arith.index_cast %mul3A_319 : i32 to index
        %get3A_348 = tpu.vector_load %arg5[%get3A_345, %get3A_346, %get3A_347] {strides = array<i32>} : memref<28x8x128xf32, #tpu.memory_space<vmem>>, vector<16xf32>,
        %get3A_349 = arith.constant 6 : i32
        %get3A_350 = arith.index_cast %select_n3A_302 : i32 to index
        %get3A_351 = arith.index_cast %get3A_349 : i32 to index
        %get3A_352 = arith.index_cast %mul3A_319 : i32 to index
        %get3A_353 = tpu.vector_load %arg5[%get3A_350, %get3A_351, %get3A_352] {strides = array<i32>} : memref<28x8x128xf32, #tpu.memory_space<vmem>>, vector<16xf32>,
        %get3A_354 = arith.constant 7 : i32
        %get3A_355 = arith.index_cast %select_n3A_302 : i32 to index
        %get3A_356 = arith.index_cast %get3A_354 : i32 to index
        %get3A_357 = arith.index_cast %mul3A_319 : i32 to index
        %get3A_358 = tpu.vector_load %arg5[%get3A_355, %get3A_356, %get3A_357] {strides = array<i32>} : memref<28x8x128xf32, #tpu.memory_space<vmem>>, vector<16xf32>,
        %max3A = arith.maximumf %get3A_323, %get3A_328 : vector<16xf32>
        %max3A_359 = arith.maximumf %get3A_333, %get3A_338 : vector<16xf32>
        %max3A_360 = arith.maximumf %get3A_343, %get3A_348 : vector<16xf32>
        %max3A_361 = arith.maximumf %get3A_353, %get3A_358 : vector<16xf32>
        %min3A_362 = arith.minimumf %get3A_323, %get3A_328 : vector<16xf32>
        %min3A_363 = arith.minimumf %get3A_333, %get3A_338 : vector<16xf32>
        %min3A_364 = arith.minimumf %get3A_343, %get3A_348 : vector<16xf32>
        %min3A_365 = arith.minimumf %get3A_353, %get3A_358 : vector<16xf32>
        %max3A_366 = arith.maximumf %max3A, %max3A_359 : vector<16xf32>
        %min3A_367 = arith.minimumf %max3A, %max3A_359 : vector<16xf32>
        %max3A_368 = arith.maximumf %min3A_362, %min3A_363 : vector<16xf32>
        %max3A_369 = arith.maximumf %min3A_367, %max3A_368 : vector<16xf32>
        %max3A_370 = arith.maximumf %max3A_360, %max3A_361 : vector<16xf32>
        %min3A_371 = arith.minimumf %max3A_360, %max3A_361 : vector<16xf32>
        %max3A_372 = arith.maximumf %min3A_364, %min3A_365 : vector<16xf32>
        %max3A_373 = arith.maximumf %min3A_371, %max3A_372 : vector<16xf32>
        %max3A_374 = arith.maximumf %max3A_366, %max3A_370 : vector<16xf32>
        %min3A_375 = arith.minimumf %max3A_366, %max3A_370 : vector<16xf32>
        %max3A_376 = arith.maximumf %max3A_369, %max3A_373 : vector<16xf32>
        %max3A_377 = arith.maximumf %min3A_375, %max3A_376 : vector<16xf32>
        %exp3A = math.exp %get3A_323 : vector<16xf32>
        %exp3A_378 = math.exp %get3A_328 : vector<16xf32>
        %exp3A_379 = math.exp %get3A_333 : vector<16xf32>
        %exp3A_380 = math.exp %get3A_338 : vector<16xf32>
        %exp3A_381 = math.exp %get3A_343 : vector<16xf32>
        %exp3A_382 = math.exp %get3A_348 : vector<16xf32>
        %exp3A_383 = math.exp %get3A_353 : vector<16xf32>
        %exp3A_384 = math.exp %get3A_358 : vector<16xf32>
        %add3A_385 = arith.addf %exp3A, %exp3A_378 : vector<16xf32>
        %add3A_386 = arith.addf %exp3A_379, %exp3A_380 : vector<16xf32>
        %add3A_387 = arith.addf %add3A_385, %add3A_386 : vector<16xf32>
        %add3A_388 = arith.addf %exp3A_381, %exp3A_382 : vector<16xf32>
        %add3A_389 = arith.addf %exp3A_383, %exp3A_384 : vector<16xf32>
        %add3A_390 = arith.addf %add3A_388, %add3A_389 : vector<16xf32>
        %add3A_391 = arith.addf %add3A_387, %add3A_390 : vector<16xf32>
        %div3A_392 = arith.constant 1.000000e+00 : f32
        %div3A_393 = vector.broadcast %div3A_392 : f32 to vector<16xf32>
        %div3A_394 = arith.divf %div3A_393, %add3A_391 : vector<16xf32>
        %mul3A_395 = arith.mulf %exp3A, %div3A_394 : vector<16xf32>
        %add3A_396 = arith.addf %scan3A_278, %mul3A_395 : vector<16xf32>
        %mul3A_397 = arith.mulf %exp3A_378, %div3A_394 : vector<16xf32>
        %add3A_398 = arith.addf %scan3A_279, %mul3A_397 : vector<16xf32>
        %mul3A_399 = arith.mulf %exp3A_379, %div3A_394 : vector<16xf32>
        %add3A_400 = arith.addf %scan3A_280, %mul3A_399 : vector<16xf32>
        %mul3A_401 = arith.mulf %exp3A_380, %div3A_394 : vector<16xf32>
        %add3A_402 = arith.addf %scan3A_281, %mul3A_401 : vector<16xf32>
        %mul3A_403 = arith.mulf %exp3A_381, %div3A_394 : vector<16xf32>
        %add3A_404 = arith.addf %scan3A_282, %mul3A_403 : vector<16xf32>
        %mul3A_405 = arith.mulf %exp3A_382, %div3A_394 : vector<16xf32>
        %add3A_406 = arith.addf %scan3A_283, %mul3A_405 : vector<16xf32>
        %mul3A_407 = arith.mulf %exp3A_383, %div3A_394 : vector<16xf32>
        %add3A_408 = arith.addf %scan3A_284, %mul3A_407 : vector<16xf32>
        %ge3A = arith.cmpf oge, %get3A_323, %max3A_377 : vector<16xf32>
        %jit3A_409 = arith.constant 1.000000e+00 : f32
        %jit3A_410 = arith.constant 0.000000e+00 : f32
        %broadcast_in_dim3A_411 = vector.broadcast %jit3A_409 : f32 to vector<16xf32>
        %broadcast_in_dim3A_412 = vector.broadcast %jit3A_410 : f32 to vector<16xf32>
        %select_n3A_413 = arith.select %ge3A, %broadcast_in_dim3A_411, %broadcast_in_dim3A_412 : vector<16xi1>, vector<16xf32>
        %add3A_414 = arith.addf %scan3A_271, %select_n3A_413 : vector<16xf32>
        %ge3A_415 = arith.cmpf oge, %get3A_328, %max3A_377 : vector<16xf32>
        %jit3A_416 = arith.constant 1.000000e+00 : f32
        %jit3A_417 = arith.constant 0.000000e+00 : f32
        %broadcast_in_dim3A_418 = vector.broadcast %jit3A_416 : f32 to vector<16xf32>
        %broadcast_in_dim3A_419 = vector.broadcast %jit3A_417 : f32 to vector<16xf32>
        %select_n3A_420 = arith.select %ge3A_415, %broadcast_in_dim3A_418, %broadcast_in_dim3A_419 : vector<16xi1>, vector<16xf32>
        %add3A_421 = arith.addf %scan3A_272, %select_n3A_420 : vector<16xf32>
        %ge3A_422 = arith.cmpf oge, %get3A_333, %max3A_377 : vector<16xf32>
        %jit3A_423 = arith.constant 1.000000e+00 : f32
        %jit3A_424 = arith.constant 0.000000e+00 : f32
        %broadcast_in_dim3A_425 = vector.broadcast %jit3A_423 : f32 to vector<16xf32>
        %broadcast_in_dim3A_426 = vector.broadcast %jit3A_424 : f32 to vector<16xf32>
        %select_n3A_427 = arith.select %ge3A_422, %broadcast_in_dim3A_425, %broadcast_in_dim3A_426 : vector<16xi1>, vector<16xf32>
        %add3A_428 = arith.addf %scan3A_273, %select_n3A_427 : vector<16xf32>
        %ge3A_429 = arith.cmpf oge, %get3A_338, %max3A_377 : vector<16xf32>
        %jit3A_430 = arith.constant 1.000000e+00 : f32
        %jit3A_431 = arith.constant 0.000000e+00 : f32
        %broadcast_in_dim3A_432 = vector.broadcast %jit3A_430 : f32 to vector<16xf32>
        %broadcast_in_dim3A_433 = vector.broadcast %jit3A_431 : f32 to vector<16xf32>
        %select_n3A_434 = arith.select %ge3A_429, %broadcast_in_dim3A_432, %broadcast_in_dim3A_433 : vector<16xi1>, vector<16xf32>
        %add3A_435 = arith.addf %scan3A_274, %select_n3A_434 : vector<16xf32>
        %ge3A_436 = arith.cmpf oge, %get3A_343, %max3A_377 : vector<16xf32>
        %jit3A_437 = arith.constant 1.000000e+00 : f32
        %jit3A_438 = arith.constant 0.000000e+00 : f32
        %broadcast_in_dim3A_439 = vector.broadcast %jit3A_437 : f32 to vector<16xf32>
        %broadcast_in_dim3A_440 = vector.broadcast %jit3A_438 : f32 to vector<16xf32>
        %select_n3A_441 = arith.select %ge3A_436, %broadcast_in_dim3A_439, %broadcast_in_dim3A_440 : vector<16xi1>, vector<16xf32>
        %add3A_442 = arith.addf %scan3A_275, %select_n3A_441 : vector<16xf32>
        %ge3A_443 = arith.cmpf oge, %get3A_348, %max3A_377 : vector<16xf32>
        %jit3A_444 = arith.constant 1.000000e+00 : f32
        %jit3A_445 = arith.constant 0.000000e+00 : f32
        %broadcast_in_dim3A_446 = vector.broadcast %jit3A_444 : f32 to vector<16xf32>
        %broadcast_in_dim3A_447 = vector.broadcast %jit3A_445 : f32 to vector<16xf32>
        %select_n3A_448 = arith.select %ge3A_443, %broadcast_in_dim3A_446, %broadcast_in_dim3A_447 : vector<16xi1>, vector<16xf32>
        %add3A_449 = arith.addf %scan3A_276, %select_n3A_448 : vector<16xf32>
        %ge3A_450 = arith.cmpf oge, %get3A_353, %max3A_377 : vector<16xf32>
        %jit3A_451 = arith.constant 1.000000e+00 : f32
        %jit3A_452 = arith.constant 0.000000e+00 : f32
        %broadcast_in_dim3A_453 = vector.broadcast %jit3A_451 : f32 to vector<16xf32>
        %broadcast_in_dim3A_454 = vector.broadcast %jit3A_452 : f32 to vector<16xf32>
        %select_n3A_455 = arith.select %ge3A_450, %broadcast_in_dim3A_453, %broadcast_in_dim3A_454 : vector<16xi1>, vector<16xf32>
        %add3A_456 = arith.addf %scan3A_277, %select_n3A_455 : vector<16xf32>
        scf.yield %add3A_414, %add3A_421, %add3A_428, %add3A_435, %add3A_442, %add3A_449, %add3A_456, %add3A_396, %add3A_398, %add3A_400, %add3A_402, %add3A_404, %add3A_406, %add3A_408 : vector<16xf32>, vector<16xf32>, vector<16xf32>, vector<16xf32>, vector<16xf32>, vector<16xf32>, vector<16xf32>, vector<16xf32>, vector<16xf32>, vector<16xf32>, vector<16xf32>, vector<16xf32>, vector<16xf32>, vector<16xf32>
      }
      %scan3A_254 = arith.constant 224 : i32
      %mul3A_255 = arith.constant 2 : i32
      %mul3A_256 = arith.muli %mul3A_255, %scan3A_201 : i32
      %add3A_257 = arith.constant 3 : i32
      %add3A_258 = arith.addi %mul3A_256, %add3A_257 : i32
      %min3A_259 = arith.constant 7 : i32
      %min3A_260 = arith.minsi %add3A_258, %min3A_259 : i32
      %mul3A_261 = arith.constant 28 : i32
      %mul3A_262 = arith.muli %min3A_260, %mul3A_261 : i32
      %add3A_263 = arith.addi %mul3A_2, %mul3A_262 : i32
      %dma_start3A_264 = arith.constant 0 : i32
      %dma_start3A_265 = arith.constant 0 : i32
      %dma_start3A_266 = tpu.memref_slice %arg2[%add3A_263, %dma_start3A_264, %dma_start3A_265] : memref<8192x8x128xf32, #tpu.memory_space<hbm>> -> memref<28x8x128xf32, #tpu.memory_space<hbm>>
      %dma_start3A_267 = arith.constant 0 : i32
      %dma_start3A_268 = arith.constant 0 : i32
      %dma_start3A_269 = tpu.memref_slice %arg2[%add3A_263, %dma_start3A_267, %dma_start3A_268] : memref<8192x8x128xf32, #tpu.memory_space<hbm>> -> memref<28x8x128xf32, #tpu.memory_space<hbm>>
      tpu.enqueue_dma source(%dma_start3A_269 : memref<28x8x128xf32, #tpu.memory_space<hbm>>) target(%arg5 : memref<28x8x128xf32, #tpu.memory_space<vmem>>) target_semaphore(%arg8 : memref<!tpu.dma_semaphore, #tpu.memory_space<semaphore_mem>>)
      scf.yield %scan3A_253#0, %scan3A_253#1, %scan3A_253#2, %scan3A_253#3, %scan3A_253#4, %scan3A_253#5, %scan3A_253#6, %scan3A_253#7, %scan3A_253#8, %scan3A_253#9, %scan3A_253#10, %scan3A_253#11, %scan3A_253#12, %scan3A_253#13 : vector<16xf32>, vector<16xf32>, vector<16xf32>, vector<16xf32>, vector<16xf32>, vector<16xf32>, vector<16xf32>, vector<16xf32>, vector<16xf32>, vector<16xf32>, vector<16xf32>, vector<16xf32>, vector<16xf32>, vector<16xf32>
    }
    %scan3A_30 = arith.constant 4 : i32
    %dma_wait3A = arith.constant 0 : i32
    %dma_wait3A_31 = arith.constant 0 : i32
    %dma_wait3A_32 = tpu.memref_slice %arg2[%mul3A_2, %dma_wait3A, %dma_wait3A_31] : memref<8192x8x128xf32, #tpu.memory_space<hbm>> -> memref<28x8x128xf32, #tpu.memory_space<hbm>>
    %dma_wait3A_33 = arith.constant 0 : i32
    %dma_wait3A_34 = arith.constant 0 : i32
    %dma_wait3A_35 = tpu.memref_slice %arg2[%mul3A_2, %dma_wait3A_33, %dma_wait3A_34] : memref<8192x8x128xf32, #tpu.memory_space<hbm>> -> memref<28x8x128xf32, #tpu.memory_space<hbm>>
    tpu.wait_dma2 semaphore(%arg7 : memref<!tpu.dma_semaphore, #tpu.memory_space<semaphore_mem>>) src(%dma_wait3A_35 : memref<28x8x128xf32, #tpu.memory_space<hbm>>) dst(%arg4 : memref<28x8x128xf32, #tpu.memory_space<vmem>>)
    %dma_wait3A_36 = arith.constant 0 : i32
    %dma_wait3A_37 = arith.constant 0 : i32
    %dma_wait3A_38 = tpu.memref_slice %arg2[%mul3A_2, %dma_wait3A_36, %dma_wait3A_37] : memref<8192x8x128xf32, #tpu.memory_space<hbm>> -> memref<28x8x128xf32, #tpu.memory_space<hbm>>
    %dma_wait3A_39 = arith.constant 0 : i32
    %dma_wait3A_40 = arith.constant 0 : i32
    %dma_wait3A_41 = tpu.memref_slice %arg2[%mul3A_2, %dma_wait3A_39, %dma_wait3A_40] : memref<8192x8x128xf32, #tpu.memory_space<hbm>> -> memref<28x8x128xf32, #tpu.memory_space<hbm>>
    tpu.wait_dma2 semaphore(%arg8 : memref<!tpu.dma_semaphore, #tpu.memory_space<semaphore_mem>>) src(%dma_wait3A_41 : memref<28x8x128xf32, #tpu.memory_space<hbm>>) dst(%arg5 : memref<28x8x128xf32, #tpu.memory_space<vmem>>)
    %broadcast_in_dim3A_42 = arith.constant 0.000000e+00 : f32
    %broadcast_in_dim3A_43 = vector.broadcast %broadcast_in_dim3A_42 : f32 to vector<16xf32>
    %reduce_sum3A = arith.constant true
    %reduce_sum3A_44 = vector.broadcast %reduce_sum3A : i1 to vector<16xi1>
    %reduce_sum3A_45 = tpu.scan <sum>, %scan3A_29#0 masked %reduce_sum3A_44 : vector<16xf32>, vector<16xi1> -> vector<16xf32>
    %reduce_sum3A_46 = vector.extract %reduce_sum3A_45[15] : f32 from vector<16xf32>
    %reduce_sum3A_47 = arith.constant true
    %reduce_sum3A_48 = vector.broadcast %reduce_sum3A_47 : i1 to vector<16xi1>
    %reduce_sum3A_49 = tpu.scan <sum>, %scan3A_29#1 masked %reduce_sum3A_48 : vector<16xf32>, vector<16xi1> -> vector<16xf32>
    %reduce_sum3A_50 = vector.extract %reduce_sum3A_49[15] : f32 from vector<16xf32>
    %reduce_sum3A_51 = arith.constant true
    %reduce_sum3A_52 = vector.broadcast %reduce_sum3A_51 : i1 to vector<16xi1>
    %reduce_sum3A_53 = tpu.scan <sum>, %scan3A_29#2 masked %reduce_sum3A_52 : vector<16xf32>, vector<16xi1> -> vector<16xf32>
    %reduce_sum3A_54 = vector.extract %reduce_sum3A_53[15] : f32 from vector<16xf32>
    %reduce_sum3A_55 = arith.constant true
    %reduce_sum3A_56 = vector.broadcast %reduce_sum3A_55 : i1 to vector<16xi1>
    %reduce_sum3A_57 = tpu.scan <sum>, %scan3A_29#3 masked %reduce_sum3A_56 : vector<16xf32>, vector<16xi1> -> vector<16xf32>
    %reduce_sum3A_58 = vector.extract %reduce_sum3A_57[15] : f32 from vector<16xf32>
    %reduce_sum3A_59 = arith.constant true
    %reduce_sum3A_60 = vector.broadcast %reduce_sum3A_59 : i1 to vector<16xi1>
    %reduce_sum3A_61 = tpu.scan <sum>, %scan3A_29#4 masked %reduce_sum3A_60 : vector<16xf32>, vector<16xi1> -> vector<16xf32>
    %reduce_sum3A_62 = vector.extract %reduce_sum3A_61[15] : f32 from vector<16xf32>
    %reduce_sum3A_63 = arith.constant true
    %reduce_sum3A_64 = vector.broadcast %reduce_sum3A_63 : i1 to vector<16xi1>
    %reduce_sum3A_65 = tpu.scan <sum>, %scan3A_29#5 masked %reduce_sum3A_64 : vector<16xf32>, vector<16xi1> -> vector<16xf32>
    %reduce_sum3A_66 = vector.extract %reduce_sum3A_65[15] : f32 from vector<16xf32>
    %reduce_sum3A_67 = arith.constant true
    %reduce_sum3A_68 = vector.broadcast %reduce_sum3A_67 : i1 to vector<16xi1>
    %reduce_sum3A_69 = tpu.scan <sum>, %scan3A_29#6 masked %reduce_sum3A_68 : vector<16xf32>, vector<16xi1> -> vector<16xf32>
    %reduce_sum3A_70 = vector.extract %reduce_sum3A_69[15] : f32 from vector<16xf32>
    %reduce_sum3A_71 = arith.constant true
    %reduce_sum3A_72 = vector.broadcast %reduce_sum3A_71 : i1 to vector<16xi1>
    %reduce_sum3A_73 = tpu.scan <sum>, %scan3A_29#7 masked %reduce_sum3A_72 : vector<16xf32>, vector<16xi1> -> vector<16xf32>
    %reduce_sum3A_74 = vector.extract %reduce_sum3A_73[15] : f32 from vector<16xf32>
    %reduce_sum3A_75 = arith.constant true
    %reduce_sum3A_76 = vector.broadcast %reduce_sum3A_75 : i1 to vector<16xi1>
    %reduce_sum3A_77 = tpu.scan <sum>, %scan3A_29#8 masked %reduce_sum3A_76 : vector<16xf32>, vector<16xi1> -> vector<16xf32>
    %reduce_sum3A_78 = vector.extract %reduce_sum3A_77[15] : f32 from vector<16xf32>
    %reduce_sum3A_79 = arith.constant true
    %reduce_sum3A_80 = vector.broadcast %reduce_sum3A_79 : i1 to vector<16xi1>
    %reduce_sum3A_81 = tpu.scan <sum>, %scan3A_29#9 masked %reduce_sum3A_80 : vector<16xf32>, vector<16xi1> -> vector<16xf32>
    %reduce_sum3A_82 = vector.extract %reduce_sum3A_81[15] : f32 from vector<16xf32>
    %reduce_sum3A_83 = arith.constant true
    %reduce_sum3A_84 = vector.broadcast %reduce_sum3A_83 : i1 to vector<16xi1>
    %reduce_sum3A_85 = tpu.scan <sum>, %scan3A_29#10 masked %reduce_sum3A_84 : vector<16xf32>, vector<16xi1> -> vector<16xf32>
    %reduce_sum3A_86 = vector.extract %reduce_sum3A_85[15] : f32 from vector<16xf32>
    %reduce_sum3A_87 = arith.constant true
    %reduce_sum3A_88 = vector.broadcast %reduce_sum3A_87 : i1 to vector<16xi1>
    %reduce_sum3A_89 = tpu.scan <sum>, %scan3A_29#11 masked %reduce_sum3A_88 : vector<16xf32>, vector<16xi1> -> vector<16xf32>
    %reduce_sum3A_90 = vector.extract %reduce_sum3A_89[15] : f32 from vector<16xf32>
    %reduce_sum3A_91 = arith.constant true
    %reduce_sum3A_92 = vector.broadcast %reduce_sum3A_91 : i1 to vector<16xi1>
    %reduce_sum3A_93 = tpu.scan <sum>, %scan3A_29#12 masked %reduce_sum3A_92 : vector<16xf32>, vector<16xi1> -> vector<16xf32>
    %reduce_sum3A_94 = vector.extract %reduce_sum3A_93[15] : f32 from vector<16xf32>
    %reduce_sum3A_95 = arith.constant true
    %reduce_sum3A_96 = vector.broadcast %reduce_sum3A_95 : i1 to vector<16xi1>
    %reduce_sum3A_97 = tpu.scan <sum>, %scan3A_29#13 masked %reduce_sum3A_96 : vector<16xf32>, vector<16xi1> -> vector<16xf32>
    %reduce_sum3A_98 = vector.extract %reduce_sum3A_97[15] : f32 from vector<16xf32>
    %mul3A_99 = arith.constant 2.000000e+00 : f32
    %mul3A_100 = arith.constant 2.867200e+04 : f32
    %mul3A_101 = arith.mulf %mul3A_99, %mul3A_100 : f32
    %add3A_102 = arith.constant 0.000000e+00 : f32
    %add3A_103 = arith.addf %add3A_102, %reduce_sum3A_46 : f32
    %add3A_104 = arith.addf %add3A_103, %reduce_sum3A_50 : f32
    %add3A_105 = arith.addf %add3A_104, %reduce_sum3A_54 : f32
    %add3A_106 = arith.addf %add3A_105, %reduce_sum3A_58 : f32
    %add3A_107 = arith.addf %add3A_106, %reduce_sum3A_62 : f32
    %add3A_108 = arith.addf %add3A_107, %reduce_sum3A_66 : f32
    %add3A_109 = arith.addf %add3A_108, %reduce_sum3A_70 : f32
    %sub3A = arith.subf %mul3A_101, %add3A_109 : f32
    %add3A_110 = arith.constant 0.000000e+00 : f32
    %add3A_111 = arith.addf %add3A_110, %reduce_sum3A_74 : f32
    %add3A_112 = arith.addf %add3A_111, %reduce_sum3A_78 : f32
    %add3A_113 = arith.addf %add3A_112, %reduce_sum3A_82 : f32
    %add3A_114 = arith.addf %add3A_113, %reduce_sum3A_86 : f32
    %add3A_115 = arith.addf %add3A_114, %reduce_sum3A_90 : f32
    %add3A_116 = arith.addf %add3A_115, %reduce_sum3A_94 : f32
    %add3A_117 = arith.addf %add3A_116, %reduce_sum3A_98 : f32
    %sub3A_118 = arith.constant 2.867200e+04 : f32
    %sub3A_119 = arith.subf %sub3A_118, %add3A_117 : f32
    %eq3A = arith.constant 0 : i32
    %eq3A_120 = vector.broadcast %eq3A : i32 to vector<16xi32>
    %eq3A_121 = arith.cmpi eq, %iota3A, %eq3A_120 : vector<16xi32>
    %broadcast_in_dim3A_122 = vector.broadcast %reduce_sum3A_46 : f32 to vector<16xf32>
    %select_n3A = arith.select %eq3A_121, %broadcast_in_dim3A_122, %broadcast_in_dim3A_43 : vector<16xi1>, vector<16xf32>
    %eq3A_123 = arith.constant 8 : i32
    %eq3A_124 = vector.broadcast %eq3A_123 : i32 to vector<16xi32>
    %eq3A_125 = arith.cmpi eq, %iota3A, %eq3A_124 : vector<16xi32>
    %broadcast_in_dim3A_126 = vector.broadcast %reduce_sum3A_74 : f32 to vector<16xf32>
    %select_n3A_127 = arith.select %eq3A_125, %broadcast_in_dim3A_126, %select_n3A : vector<16xi1>, vector<16xf32>
    %eq3A_128 = arith.constant 1 : i32
    %eq3A_129 = vector.broadcast %eq3A_128 : i32 to vector<16xi32>
    %eq3A_130 = arith.cmpi eq, %iota3A, %eq3A_129 : vector<16xi32>
    %broadcast_in_dim3A_131 = vector.broadcast %reduce_sum3A_50 : f32 to vector<16xf32>
    %select_n3A_132 = arith.select %eq3A_130, %broadcast_in_dim3A_131, %select_n3A_127 : vector<16xi1>, vector<16xf32>
    %eq3A_133 = arith.constant 9 : i32
    %eq3A_134 = vector.broadcast %eq3A_133 : i32 to vector<16xi32>
    %eq3A_135 = arith.cmpi eq, %iota3A, %eq3A_134 : vector<16xi32>
    %broadcast_in_dim3A_136 = vector.broadcast %reduce_sum3A_78 : f32 to vector<16xf32>
    %select_n3A_137 = arith.select %eq3A_135, %broadcast_in_dim3A_136, %select_n3A_132 : vector<16xi1>, vector<16xf32>
    %eq3A_138 = arith.constant 2 : i32
    %eq3A_139 = vector.broadcast %eq3A_138 : i32 to vector<16xi32>
    %eq3A_140 = arith.cmpi eq, %iota3A, %eq3A_139 : vector<16xi32>
    %broadcast_in_dim3A_141 = vector.broadcast %reduce_sum3A_54 : f32 to vector<16xf32>
    %select_n3A_142 = arith.select %eq3A_140, %broadcast_in_dim3A_141, %select_n3A_137 : vector<16xi1>, vector<16xf32>
    %eq3A_143 = arith.constant 10 : i32
    %eq3A_144 = vector.broadcast %eq3A_143 : i32 to vector<16xi32>
    %eq3A_145 = arith.cmpi eq, %iota3A, %eq3A_144 : vector<16xi32>
    %broadcast_in_dim3A_146 = vector.broadcast %reduce_sum3A_82 : f32 to vector<16xf32>
    %select_n3A_147 = arith.select %eq3A_145, %broadcast_in_dim3A_146, %select_n3A_142 : vector<16xi1>, vector<16xf32>
    %eq3A_148 = arith.constant 3 : i32
    %eq3A_149 = vector.broadcast %eq3A_148 : i32 to vector<16xi32>
    %eq3A_150 = arith.cmpi eq, %iota3A, %eq3A_149 : vector<16xi32>
    %broadcast_in_dim3A_151 = vector.broadcast %reduce_sum3A_58 : f32 to vector<16xf32>
    %select_n3A_152 = arith.select %eq3A_150, %broadcast_in_dim3A_151, %select_n3A_147 : vector<16xi1>, vector<16xf32>
    %eq3A_153 = arith.constant 11 : i32
    %eq3A_154 = vector.broadcast %eq3A_153 : i32 to vector<16xi32>
    %eq3A_155 = arith.cmpi eq, %iota3A, %eq3A_154 : vector<16xi32>
    %broadcast_in_dim3A_156 = vector.broadcast %reduce_sum3A_86 : f32 to vector<16xf32>
    %select_n3A_157 = arith.select %eq3A_155, %broadcast_in_dim3A_156, %select_n3A_152 : vector<16xi1>, vector<16xf32>
    %eq3A_158 = arith.constant 4 : i32
    %eq3A_159 = vector.broadcast %eq3A_158 : i32 to vector<16xi32>
    %eq3A_160 = arith.cmpi eq, %iota3A, %eq3A_159 : vector<16xi32>
    %broadcast_in_dim3A_161 = vector.broadcast %reduce_sum3A_62 : f32 to vector<16xf32>
    %select_n3A_162 = arith.select %eq3A_160, %broadcast_in_dim3A_161, %select_n3A_157 : vector<16xi1>, vector<16xf32>
    %eq3A_163 = arith.constant 12 : i32
    %eq3A_164 = vector.broadcast %eq3A_163 : i32 to vector<16xi32>
    %eq3A_165 = arith.cmpi eq, %iota3A, %eq3A_164 : vector<16xi32>
    %broadcast_in_dim3A_166 = vector.broadcast %reduce_sum3A_90 : f32 to vector<16xf32>
    %select_n3A_167 = arith.select %eq3A_165, %broadcast_in_dim3A_166, %select_n3A_162 : vector<16xi1>, vector<16xf32>
    %eq3A_168 = arith.constant 5 : i32
    %eq3A_169 = vector.broadcast %eq3A_168 : i32 to vector<16xi32>
    %eq3A_170 = arith.cmpi eq, %iota3A, %eq3A_169 : vector<16xi32>
    %broadcast_in_dim3A_171 = vector.broadcast %reduce_sum3A_66 : f32 to vector<16xf32>
    %select_n3A_172 = arith.select %eq3A_170, %broadcast_in_dim3A_171, %select_n3A_167 : vector<16xi1>, vector<16xf32>
    %eq3A_173 = arith.constant 13 : i32
    %eq3A_174 = vector.broadcast %eq3A_173 : i32 to vector<16xi32>
    %eq3A_175 = arith.cmpi eq, %iota3A, %eq3A_174 : vector<16xi32>
    %broadcast_in_dim3A_176 = vector.broadcast %reduce_sum3A_94 : f32 to vector<16xf32>
    %select_n3A_177 = arith.select %eq3A_175, %broadcast_in_dim3A_176, %select_n3A_172 : vector<16xi1>, vector<16xf32>
    %eq3A_178 = arith.constant 6 : i32
    %eq3A_179 = vector.broadcast %eq3A_178 : i32 to vector<16xi32>
    %eq3A_180 = arith.cmpi eq, %iota3A, %eq3A_179 : vector<16xi32>
    %broadcast_in_dim3A_181 = vector.broadcast %reduce_sum3A_70 : f32 to vector<16xf32>
    %select_n3A_182 = arith.select %eq3A_180, %broadcast_in_dim3A_181, %select_n3A_177 : vector<16xi1>, vector<16xf32>
    %eq3A_183 = arith.constant 14 : i32
    %eq3A_184 = vector.broadcast %eq3A_183 : i32 to vector<16xi32>
    %eq3A_185 = arith.cmpi eq, %iota3A, %eq3A_184 : vector<16xi32>
    %broadcast_in_dim3A_186 = vector.broadcast %reduce_sum3A_98 : f32 to vector<16xf32>
    %select_n3A_187 = arith.select %eq3A_185, %broadcast_in_dim3A_186, %select_n3A_182 : vector<16xi1>, vector<16xf32>
    %eq3A_188 = arith.constant 7 : i32
    %eq3A_189 = vector.broadcast %eq3A_188 : i32 to vector<16xi32>
    %eq3A_190 = arith.cmpi eq, %iota3A, %eq3A_189 : vector<16xi32>
    %broadcast_in_dim3A_191 = vector.broadcast %sub3A : f32 to vector<16xf32>
    %select_n3A_192 = arith.select %eq3A_190, %broadcast_in_dim3A_191, %select_n3A_187 : vector<16xi1>, vector<16xf32>
    %eq3A_193 = arith.constant 15 : i32
    %eq3A_194 = vector.broadcast %eq3A_193 : i32 to vector<16xi32>
    %eq3A_195 = arith.cmpi eq, %iota3A, %eq3A_194 : vector<16xi32>
    %broadcast_in_dim3A_196 = vector.broadcast %sub3A_119 : f32 to vector<16xf32>
    %select_n3A_197 = arith.select %eq3A_195, %broadcast_in_dim3A_196, %select_n3A_192 : vector<16xi1>, vector<16xf32>
    %swap3A = arith.constant 0 : index
    %swap3A_198 = tpu.vector_load %arg6[%swap3A] {strides = array<i32>} : memref<16xf32, #tpu.memory_space<vmem>>, vector<16xf32>,
    tpu.vector_store %arg6[%swap3A], %select_n3A_197 {strides = array<i32>} : memref<16xf32, #tpu.memory_space<vmem>>, vector<16xf32>,
    %mul3A_199 = arith.constant 16 : i32
    %mul3A_200 = arith.muli %add3A, %mul3A_199 : i32
    "tpu.region"() ({
      %run_scoped3A = tpu.sem_alloc : memref<!tpu.dma_semaphore, #tpu.memory_space<semaphore_mem>>
      %dma_start3A_201 = tpu.memref_slice %arg3[%mul3A_200] : memref<512xf32, #tpu.memory_space<hbm>> -> memref<16xf32, #tpu.memory_space<hbm>>
      %dma_start3A_202 = tpu.memref_slice %arg3[%mul3A_200] : memref<512xf32, #tpu.memory_space<hbm>> -> memref<16xf32, #tpu.memory_space<hbm>>
      tpu.enqueue_dma source(%arg6 : memref<16xf32, #tpu.memory_space<vmem>>) target(%dma_start3A_202 : memref<16xf32, #tpu.memory_space<hbm>>) target_semaphore(%run_scoped3A : memref<!tpu.dma_semaphore, #tpu.memory_space<semaphore_mem>>)
      %dma_wait3A_203 = tpu.memref_slice %arg3[%mul3A_200] : memref<512xf32, #tpu.memory_space<hbm>> -> memref<16xf32, #tpu.memory_space<hbm>>
      %dma_wait3A_204 = tpu.memref_slice %arg3[%mul3A_200] : memref<512xf32, #tpu.memory_space<hbm>> -> memref<16xf32, #tpu.memory_space<hbm>>
      tpu.wait_dma2 semaphore(%run_scoped3A : memref<!tpu.dma_semaphore, #tpu.memory_space<semaphore_mem>>) src(%arg6 : memref<16xf32, #tpu.memory_space<vmem>>) dst(%dma_wait3A_204 : memref<16xf32, #tpu.memory_space<hbm>>)
      tpu.yield
    }) : () -> ()
    return
  }
}

module attributes {stable_mosaic.version = 14 : i64} {
  func.func @_fold_body(%arg0: memref<512xf32, #tpu.memory_space<vmem>>, %arg1: memref<2x8x128xf32, #tpu.memory_space<vmem>>, %arg2: memref<1x1xf32, #tpu.memory_space<smem>>) attributes {dimension_semantics = [], scalar_prefetch = 0 : i64, scratch_operands = 0 : i64, tpu.core_type = #tpu.core_type<tc>} {
    %get3A = arith.constant 0 : index
    %get3A_0 = vector.load %arg0[%get3A] : memref<512xf32, #tpu.memory_space<vmem>>, vector<512xf32>
    %reshape3A = vector.shape_cast %get3A_0 : vector<512xf32> to vector<4x128xf32>
    %reduce_sum3A = arith.constant dense<0.000000e+00> : vector<128xf32>
    %reduce_sum3A_1 = vector.multi_reduction <add>, %reshape3A, %reduce_sum3A [0] : vector<4x128xf32> to vector<128xf32>
    %broadcast_in_dim3A = vector.shape_cast %reduce_sum3A_1 : vector<128xf32> to vector<1x128xf32>
    %slice3A = vector.extract_strided_slice %broadcast_in_dim3A {offsets = [0, 0], sizes = [1, 64], strides = [1, 1]} : vector<1x128xf32> to vector<1x64xf32>
    %slice3A_2 = vector.extract_strided_slice %broadcast_in_dim3A {offsets = [0, 64], sizes = [1, 64], strides = [1, 1]} : vector<1x128xf32> to vector<1x64xf32>
    %add3A = arith.addf %slice3A, %slice3A_2 : vector<1x64xf32>
    %slice3A_3 = vector.extract_strided_slice %add3A {offsets = [0, 0], sizes = [1, 32], strides = [1, 1]} : vector<1x64xf32> to vector<1x32xf32>
    %slice3A_4 = vector.extract_strided_slice %add3A {offsets = [0, 32], sizes = [1, 32], strides = [1, 1]} : vector<1x64xf32> to vector<1x32xf32>
    %add3A_5 = arith.addf %slice3A_3, %slice3A_4 : vector<1x32xf32>
    %slice3A_6 = vector.extract_strided_slice %add3A_5 {offsets = [0, 0], sizes = [1, 16], strides = [1, 1]} : vector<1x32xf32> to vector<1x16xf32>
    %slice3A_7 = vector.extract_strided_slice %add3A_5 {offsets = [0, 16], sizes = [1, 16], strides = [1, 1]} : vector<1x32xf32> to vector<1x16xf32>
    %add3A_8 = arith.addf %slice3A_6, %slice3A_7 : vector<1x16xf32>
    %get3A_9 = arith.constant 0 : index
    %get3A_10 = arith.constant 0 : index
    %get3A_11 = arith.constant 0 : index
    %get3A_12 = vector.load %arg1[%get3A_9, %get3A_10, %get3A_11] : memref<2x8x128xf32, #tpu.memory_space<vmem>>, vector<2x8x128xf32>
    %reduce_sum3A_13 = arith.constant dense<0.000000e+00> : vector<2x8xf32>
    %reduce_sum3A_14 = vector.multi_reduction <add>, %get3A_12, %reduce_sum3A_13 [2] : vector<2x8x128xf32> to vector<2x8xf32>
    %slice3A_15 = vector.extract_strided_slice %add3A_8 {offsets = [0, 0], sizes = [1, 8], strides = [1, 1]} : vector<1x16xf32> to vector<1x8xf32>
    %slice3A_16 = vector.extract_strided_slice %reduce_sum3A_14 {offsets = [0, 0], sizes = [1, 8], strides = [1, 1]} : vector<2x8xf32> to vector<1x8xf32>
    %add3A_17 = arith.addf %slice3A_15, %slice3A_16 : vector<1x8xf32>
    %slice3A_18 = vector.extract_strided_slice %add3A_8 {offsets = [0, 8], sizes = [1, 8], strides = [1, 1]} : vector<1x16xf32> to vector<1x8xf32>
    %slice3A_19 = vector.extract_strided_slice %reduce_sum3A_14 {offsets = [1, 0], sizes = [1, 8], strides = [1, 1]} : vector<2x8xf32> to vector<1x8xf32>
    %add3A_20 = arith.addf %slice3A_18, %slice3A_19 : vector<1x8xf32>
    %mul3A = arith.mulf %add3A_17, %add3A_20 : vector<1x8xf32>
    %reduce_sum3A_21 = vector.shape_cast %mul3A : vector<1x8xf32> to vector<1x1x8xf32>
    %reduce_sum3A_22 = arith.constant dense<0.000000e+00> : vector<1xf32>
    %reduce_sum3A_23 = vector.multi_reduction <add>, %reduce_sum3A_21, %reduce_sum3A_22 [1, 2] : vector<1x1x8xf32> to vector<1xf32>
    %reduce_sum3A_24 = vector.shape_cast %reduce_sum3A_23 : vector<1xf32> to vector<1x1x1xf32>
    %reduce_sum3A_25 = vector.extract %reduce_sum3A_24[0, 0, 0] : f32 from vector<1x1x1xf32>
    %mul3A_26 = arith.constant 7.27595745E-14 : f32
    %mul3A_27 = arith.mulf %reduce_sum3A_25, %mul3A_26 : f32
    %swap3A = arith.constant 0 : index
    %swap3A_28 = arith.constant 0 : index
    %swap3A_29 = memref.load %arg2[%swap3A, %swap3A_28] : memref<1x1xf32, #tpu.memory_space<smem>>
    memref.store %mul3A_27, %arg2[%swap3A, %swap3A_28] : memref<1x1xf32, #tpu.memory_space<smem>>
    return
  }
}

module attributes {stable_mosaic.version = 14 : i64} {
  func.func @_tc_body(%arg0: i32, %arg1: memref<16x8x128xf32, #tpu.memory_space<vmem>>, %arg2: memref<2x8x128xf32, #tpu.memory_space<vmem>>) attributes {dimension_semantics = [#tpu.dimension_semantics<arbitrary>], iteration_bounds = array<i64: 64>, scalar_prefetch = 0 : i64, scratch_operands = 0 : i64, tpu.core_type = #tpu.core_type<tc>, window_params = [{transform_indices = @transform_0, window_bounds = array<i64: 16, 8, 128>}, {pipeline_mode = #tpu.pipeline_mode<synchronous>, transform_indices = @transform_1, window_bounds = array<i64: 2, 8, 128>}]} {
    %get3A = arith.constant 0 : index
    %get3A_0 = arith.constant 0 : index
    %get3A_1 = arith.constant 0 : index
    %get3A_2 = vector.load %arg1[%get3A, %get3A_0, %get3A_1] : memref<16x8x128xf32, #tpu.memory_space<vmem>>, vector<16x8x128xf32>
    %reduce_max3A = arith.constant dense<0xFF800000> : vector<16x128xf32>
    %reduce_max3A_3 = vector.multi_reduction <maximumf>, %get3A_2, %reduce_max3A [1] : vector<16x8x128xf32> to vector<16x128xf32>
    %broadcast_in_dim3A = vector.shape_cast %reduce_max3A_3 : vector<16x128xf32> to vector<16x1x128xf32>
    %eq3A = vector.broadcast %broadcast_in_dim3A : vector<16x1x128xf32> to vector<16x8x128xf32>
    %eq3A_4 = arith.cmpf oeq, %get3A_2, %eq3A : vector<16x8x128xf32>
    %jit3A = arith.constant 0xFF800000 : f32
    %broadcast_in_dim3A_5 = vector.broadcast %jit3A : f32 to vector<16x8x128xf32>
    %select_n3A = arith.select %eq3A_4, %broadcast_in_dim3A_5, %get3A_2 : vector<16x8x128xi1>, vector<16x8x128xf32>
    %reduce_max3A_6 = arith.constant dense<0xFF800000> : vector<16x128xf32>
    %reduce_max3A_7 = vector.multi_reduction <maximumf>, %select_n3A, %reduce_max3A_6 [1] : vector<16x8x128xf32> to vector<16x128xf32>
    %broadcast_in_dim3A_8 = vector.shape_cast %reduce_max3A_7 : vector<16x128xf32> to vector<16x1x128xf32>
    %ge3A = vector.broadcast %broadcast_in_dim3A_8 : vector<16x1x128xf32> to vector<16x8x128xf32>
    %ge3A_9 = arith.cmpf oge, %get3A_2, %ge3A : vector<16x8x128xf32>
    %jit3A_10 = arith.constant 1.000000e+00 : f32
    %jit3A_11 = arith.constant 0.000000e+00 : f32
    %broadcast_in_dim3A_12 = vector.broadcast %jit3A_10 : f32 to vector<16x8x128xf32>
    %broadcast_in_dim3A_13 = vector.broadcast %jit3A_11 : f32 to vector<16x8x128xf32>
    %select_n3A_14 = arith.select %ge3A_9, %broadcast_in_dim3A_12, %broadcast_in_dim3A_13 : vector<16x8x128xi1>, vector<16x8x128xf32>
    %reduce_sum3A = arith.constant dense<0.000000e+00> : vector<8x128xf32>
    %reduce_sum3A_15 = vector.multi_reduction <add>, %select_n3A_14, %reduce_sum3A [0] : vector<16x8x128xf32> to vector<8x128xf32>
    %exp3A = math.exp %get3A_2 : vector<16x8x128xf32>
    %reduce_sum3A_16 = arith.constant dense<0.000000e+00> : vector<16x128xf32>
    %reduce_sum3A_17 = vector.multi_reduction <add>, %exp3A, %reduce_sum3A_16 [1] : vector<16x8x128xf32> to vector<16x128xf32>
    %broadcast_in_dim3A_18 = vector.shape_cast %reduce_sum3A_17 : vector<16x128xf32> to vector<16x1x128xf32>
    %div3A = arith.constant 1.000000e+00 : f32
    %div3A_19 = vector.broadcast %div3A : f32 to vector<16x1x128xf32>
    %div3A_20 = arith.divf %div3A_19, %broadcast_in_dim3A_18 : vector<16x1x128xf32>
    %mul3A = vector.broadcast %div3A_20 : vector<16x1x128xf32> to vector<16x8x128xf32>
    %mul3A_21 = arith.mulf %exp3A, %mul3A : vector<16x8x128xf32>
    %reduce_sum3A_22 = arith.constant dense<0.000000e+00> : vector<8x128xf32>
    %reduce_sum3A_23 = vector.multi_reduction <add>, %mul3A_21, %reduce_sum3A_22 [0] : vector<16x8x128xf32> to vector<8x128xf32>
    %stack3A = vector.shape_cast %reduce_sum3A_15 : vector<8x128xf32> to vector<1x8x128xf32>
    %stack3A_24 = vector.shape_cast %reduce_sum3A_23 : vector<8x128xf32> to vector<1x8x128xf32>
    %stack3A_25 = tpu.concatenate %stack3A, %stack3A_24 in 0 : vector<1x8x128xf32>, vector<1x8x128xf32> -> vector<2x8x128xf32>
    %eq3A_26 = arith.constant 0 : i32
    %eq3A_27 = arith.cmpi eq, %arg0, %eq3A_26 : i32
    %convert_element_type3A = arith.extui %eq3A_27 : i1 to i32
    %cond3A = arith.constant 0 : i32
    %cond3A_28 = arith.cmpi ne, %convert_element_type3A, %cond3A : i32
    scf.if %cond3A_28 {
      %swap3A = arith.constant 0 : index
      %swap3A_33 = arith.constant 0 : index
      %swap3A_34 = arith.constant 0 : index
      %swap3A_35 = vector.load %arg2[%swap3A, %swap3A_33, %swap3A_34] : memref<2x8x128xf32, #tpu.memory_space<vmem>>, vector<2x8x128xf32>
      tpu.vector_store %arg2[%swap3A, %swap3A_33, %swap3A_34], %stack3A_25 {strides = array<i32>} : memref<2x8x128xf32, #tpu.memory_space<vmem>>, vector<2x8x128xf32>,
    } else {
    }
    %ne3A = arith.constant 0 : i32
    %ne3A_29 = arith.cmpi ne, %arg0, %ne3A : i32
    %convert_element_type3A_30 = arith.extui %ne3A_29 : i1 to i32
    %cond3A_31 = arith.constant 0 : i32
    %cond3A_32 = arith.cmpi ne, %convert_element_type3A_30, %cond3A_31 : i32
    scf.if %cond3A_32 {
      %get3A_33 = arith.constant 0 : index
      %get3A_34 = arith.constant 0 : index
      %get3A_35 = arith.constant 0 : index
      %get3A_36 = vector.load %arg2[%get3A_33, %get3A_34, %get3A_35] : memref<2x8x128xf32, #tpu.memory_space<vmem>>, vector<2x8x128xf32>
      %add3A = arith.addf %get3A_36, %stack3A_25 : vector<2x8x128xf32>
      %swap3A = arith.constant 0 : index
      %swap3A_37 = arith.constant 0 : index
      %swap3A_38 = arith.constant 0 : index
      %swap3A_39 = vector.load %arg2[%swap3A, %swap3A_37, %swap3A_38] : memref<2x8x128xf32, #tpu.memory_space<vmem>>, vector<2x8x128xf32>
      tpu.vector_store %arg2[%swap3A, %swap3A_37, %swap3A_38], %add3A {strides = array<i32>} : memref<2x8x128xf32, #tpu.memory_space<vmem>>, vector<2x8x128xf32>,
    } else {
    }
    return
  }
  func.func @transform_0(%arg0: i32) -> (i32, i32, i32) {
    %add3A = arith.constant 448 : i32
    %add3A_0 = arith.addi %add3A, %arg0 : i32
    %c0_i32 = arith.constant 0 : i32
    %c0_i32_1 = arith.constant 0 : i32
    %c0_i32_2 = arith.constant 0 : i32
    return %add3A_0, %c0_i32, %c0_i32_1 : i32, i32, i32
  }
  func.func @transform_1(%arg0: i32) -> (i32, i32, i32) {
    %c0_i32 = arith.constant 0 : i32
    %c0_i32_0 = arith.constant 0 : i32
    %c0_i32_1 = arith.constant 0 : i32
    %c0_i32_2 = arith.constant 0 : i32
    return %c0_i32, %c0_i32_0, %c0_i32_1 : i32, i32, i32
  }
}

</mosaic_0001>

<sc_bundles>
// kernel: kernel.5.cloned.1.call-start
scs
__scs_entry_jumppad:
0x0: {  	(pc) =	sbr.rel $0x88, $3  }
0x1: {  	(tag) =	ssettag $0x0;
	lr =	simm.s32 $0x1  }
0x2: {  	[smem:$0x3FA0] =	sst lr;
	_ =	strace $0xD0000000  }
0x3: {  	_ = 	snop  }
0x4: {  	_ = 	snop  }
0x5: {  	_ = 	snop  }
0x6: {  	_ = 	snop  }
0x7: {  	_ = 	snop  }
__scs_overlays_trampoline_lowered:
0x8: {  	[smem:$0x3FAF] =	sst s0  }
0x9: {  	[smem:$0x3FB0] =	sst s1  }
0xa: {  	[smem:$0x3FB1] =	sst s2  }
0xb: {  	[smem:$0x3FB2] =	sst s3  }
0xc: {  	[smem:$0x3FB3] =	sst s4  }
0xd: {  	[smem:$0x3FB4] =	sst s5  }
0xe: {  	[smem:$0x3FB5] =	sst s6  }
0xf: {  	[smem:$0x3FB6] =	sst s7  }
0x10: {  	[smem:$0x3FB7] =	sst s8  }
0x11: {  	[smem:$0x3FB8] =	sst s9;
	s0 =	simm.s32 @!p0 $0x0  }
0x12: {  	s1 =	sld [smem:$0x3F9E];
	s0 =	simm.s32 @p0 $0x1  }
0x13: {  	[smem:$0x3FB9] =	sst s0;
	s0 =	simm.s32 @!p1 $0x0  }
0x14: {  	s2 =	sld [smem:$0x3F9D];
	s0 =	simm.s32 @p1 $0x1  }
0x15: {  	[smem:$0x3FBA] =	sst s0;
	s0 =	simm.s32 @!p2 $0x0  }
0x16: {  	s3 =	sld [smem:$0x3FDB];
	s0 =	simm.s32 @p2 $0x1  }
0x17: {  	s4 =	simm.s32 $0x1BF5;
	[smem:$0x3FBC] =	sst s0  }
0x18: {  	s0 =	sld [smem:$0x3F9F];
	_ =	swait.ge [sflag:s4], $0x0  }
0x19: {  	s7 =	sld [smem:$0x3FA0]  }
0x1a: {  	s8 =	sadd.s32 $0xFFFFE003, lr  }
0x1b: {  	s9 =	sadd.s32 $0xFFFFFEF7, lr;
	s5 =	simm.s32 $0xFFFFFFFF;
	p2 =	slt.u32 s8, $0xFFFFF086  }
0x1c: {  	p1 =	slt.u32 s9, $0xF7A;
	s5 =	simm.s32 @!p2 $0x0  }
0x1d: {  	s5 =	simm.s32 @p1 $0x1;
	p0 =	seq.s32 s7, s2  }
0x1e: {  	s7 =	smul.u32 @!p0 $0xF7A, s2;
	p2 =	seq.s32 @!p0 s5, $0x0  }
0x1f: {  	s9 =	smul.u32 $0xF7A, s1;
	s8 =	simm.s32 @!p0 $0x1BF5;
	p2 =	por !p2, p0  }
0x20: {  	[sflag:s8] =	ssyncset.s32 @!p0 $0xFFFFF086;
	s6 =	sadd.s32 @!p0 s3, s7;
	s7 =	simm.s32 @!p0 $0x108  }
0x21: {  	s3 =	sadd.s32 s3, s9;
	s6 =	sadd.s32 @!p0 $0x88, s6;
	s7 =	simm.s32 @p2 $0x1082  }
0x22: {  	[simem:s7], [sflag:s8] =	dma.local @!p0 [hbm:s6], $0xF7A  }
0x23: {  	s9 =	sor.u32 $0xD0000000, s2;
	s6 =	simm.s32 $0x108;
	_ =	swait.ge @!p0 [sflag:s8], $0x0  }
0x24: {  	s3 =	sadd.s32 $0x88, s3;
	s6 =	simm.s32 @!p1 $0x1082;
	[sflag:s4] =	ssyncset.s32 $0xFFFFF086  }
0x25: {  	[simem:s6], [sflag:s4] =	dma.local [hbm:s3], $0xF7A  }
0x26: {  	[smem:$0x3FA0] =	sst s1;
	(tag) =	ssettag s2;
	_ =	strace s9  }
0x27: {  	s1 =	sld [smem:$0x3FB0]  }
0x28: {  	s2 =	sld [smem:$0x3FB1]  }
0x29: {  	s4 =	sld [smem:$0x3FB3]  }
0x2a: {  	p0 =	seq.s32 s5, $0x0;
	s5 =	sld [smem:$0x3FB4]  }
0x2b: {  	s6 =	sld [smem:$0x3FB5]  }
0x2c: {  	s7 =	sld [smem:$0x3FB6]  }
0x2d: {  	s3 =	simm.s32 $0x108;
	s8 =	sld [smem:$0x3FB7]  }
0x2e: {  	s3 =	simm.s32 @!p0 $0x1082;
	s9 =	sld [smem:$0x3FB8]  }
0x2f: {  	lr =	sadd.s32 s0, s3;
	s0 =	sld [smem:$0x3FAF]  }
0x30: {  	s3 =	sld [smem:$0x3FB2]  }
0x31: {  	[smem:$0x3FBB] =	sst s10  }
0x32: {  	s10 =	sld [smem:$0x3FB9];
	_ =	sdelay $0x3  }
0x33: {  	p0 =	seq.s32 s10, $0x1;
	s10 =	sld [smem:$0x3FBB];
	_ =	sdelay $0x3  }
0x34: {  	[smem:$0x3FBB] =	sst s10  }
0x35: {  	s10 =	sld [smem:$0x3FBA];
	_ =	sdelay $0x3  }
0x36: {  	p1 =	seq.s32 s10, $0x1;
	s10 =	sld [smem:$0x3FBB];
	_ =	sdelay $0x3  }
0x37: {  	[smem:$0x3FBB] =	sst s10  }
0x38: {  	s10 =	sld [smem:$0x3FBC]  }
0x39: {  	_ = 	snop;
	(pc) =	sbr.ind lr, $3  }
0x3a: {  	_ = 	snop  }
0x3b: {  	_ = 	snop  }
0x3c: {  	p2 =	seq.s32 s10, $0x1;
	s10 =	sld [smem:$0x3FBB]  }
0x3d: {  	_ =	shalt  }
0x3e: {  	_ =	shalt  }
0x3f: {  	_ =	shalt  }
0x40: {  	_ =	shalt  }
0x41: {  	_ =	shalt  }
0x42: {  	_ =	shalt  }
0x43: {  	_ =	shalt  }
0x44: {  	_ =	shalt  }
0x45: {  	_ =	shalt  }
0x46: {  	_ =	shalt  }
0x47: {  	_ =	shalt  }
0x48: {  	_ =	shalt  }
0x49: {  	_ =	shalt  }
0x4a: {  	_ =	shalt  }
0x4b: {  	_ =	shalt  }
0x4c: {  	_ =	shalt  }
0x4d: {  	_ =	shalt  }
0x4e: {  	_ =	shalt  }
0x4f: {  	_ =	shalt  }
0x50: {  	_ =	shalt  }
0x51: {  	_ =	shalt  }
0x52: {  	_ =	shalt  }
0x53: {  	_ =	shalt  }
0x54: {  	_ =	shalt  }
0x55: {  	_ =	shalt  }
0x56: {  	_ =	shalt  }
0x57: {  	_ =	shalt  }
0x58: {  	_ =	shalt  }
0x59: {  	_ =	shalt  }
0x5a: {  	_ =	shalt  }
0x5b: {  	_ =	shalt  }
0x5c: {  	_ =	shalt  }
0x5d: {  	_ =	shalt  }
0x5e: {  	_ =	shalt  }
0x5f: {  	_ =	shalt  }
0x60: {  	_ =	shalt  }
0x61: {  	_ =	shalt  }
0x62: {  	_ =	shalt  }
0x63: {  	_ =	shalt  }
0x64: {  	_ =	shalt  }
0x65: {  	_ =	shalt  }
0x66: {  	_ =	shalt  }
0x67: {  	_ =	shalt  }
0x68: {  	_ =	shalt  }
0x69: {  	_ =	shalt  }
0x6a: {  	_ =	shalt  }
0x6b: {  	_ =	shalt  }
0x6c: {  	_ =	shalt  }
0x6d: {  	_ =	shalt  }
0x6e: {  	_ =	shalt  }
0x6f: {  	_ =	shalt  }
0x70: {  	_ =	shalt  }
0x71: {  	_ =	shalt  }
0x72: {  	_ =	shalt  }
0x73: {  	_ =	shalt  }
0x74: {  	_ =	shalt  }
0x75: {  	_ =	shalt  }
0x76: {  	_ =	shalt  }
0x77: {  	_ =	shalt  }
0x78: {  	_ =	shalt  }
0x79: {  	_ =	shalt  }
0x7a: {  	_ =	shalt  }
0x7b: {  	_ =	shalt  }
0x7c: {  	_ =	shalt  }
0x7d: {  	_ =	shalt  }
0x7e: {  	_ =	shalt  }
0x7f: {  	_ =	shalt  }
0x80: {  	_ =	shalt  }
0x81: {  	_ =	shalt  }
0x82: {  	_ =	shalt  }
0x83: {  	_ =	shalt  }
0x84: {  	_ =	shalt  }
0x85: {  	_ =	shalt  }
0x86: {  	_ =	shalt  }
0x87: {  	_ =	shalt  }
.Lfunc_end0:
.L_simem_size_0:
called_computation_lowered:
.L_overlay_start_0:
0x88: {  	s2 =	sld [smem:$0x3FD9]  }
0x89: {  	s3 =	sld [smem:$0x3FFE];
	_ =	sdelay $0x1  }
0x8a: {  	s1 =	srdreg.scid  }
0x8b: {  	s0 =	sand.u32 $0x1, s1  }
0x8c: {  	s17 =	sshll.u32 s0, $0xA;
	s2 =	sadd.s32 s3, s2  }
0x8d: {  	s2 =	sadd.s32 s2, s17  }
0x8e: {  	[smem:$0x3FC7] =	sst s2  }
0x8f: {  	_ = 	snop  }
0x90: {  	s2 =	sld [smem:$0x3FC9];
	(tm) =	ssettm $0x1  }
0x91: {  	s18 =	sld [smem:$0x3FFB];
	_ =	sdelay $0x3  }
0x92: {  	_ =	strace s18  }
0x93: {  	s3 =	sld [smem:$0x3FFC];
	_ =	sdelay $0x3  }
0x94: {  	_ =	strace s3  }
0x95: {  	s3 =	sld [smem:$0x3FFD];
	_ =	sdelay $0x3  }
0x96: {  	_ =	strace s3  }
0x97: {  	_ =	strace $0x8FFFFFFF  }
0x98: {  	s19 =	sld [smem:$0x3FDB];
	_ =	sdelay $0x1  }
0x99: {  	s4 =	simm.s32 $_scs_section_size  }
0x9a: {  	s5 =	simm.s32 $_size__tile_overlayer_lowered;
	s6 =	simm.s32 $_tile_overlayer_lowered  }
0x9b: {  	s22 =	simm.s32 $0x1BFF;
	s21 =	sshll.u32 s6, $0x1;
	s3 =	sadd.s32 s4, s19  }
0x9c: {  	s7 =	simm.s32 $0x0;
	s20 =	sshll.u32 s5, $0x1;
	s5 =	sadd.s32 s21, s3  }
0x9d: {  	[timem:s7], [sflag:s22] =	dma.local [hbm:s5], s20  }
0x9e: {  	_ =	swait.ge [sflag:s22], s20  }
0x9f: {  	s4 =	ssub.s32 $0x0, s20;
	[sflag:s22] =	ssyncset.done $0x0  }
0xa0: {  	[sflag:s22] =	ssyncadd.s32 s4;
	_ =	sdelay $0x1  }
0xa1: {  	s23 =	simm.s32 $0x1B8B  }
0xa2: {  	_ =	swait.ge [sflag:s23], $0x1  }
0xa3: {  	[sflag:s23] =	ssyncset.done $0x0  }
0xa4: {  	s25 =	simm.s32 $0x1B8E;
	s24 =	sld [smem:$0x3FFE];
	[sflag:s23] =	ssyncadd.s32 $0xFFFFFFFF  }
0xa5: {  	s26 =	simm.s32 $execute0_lowered;
	[smem:$0x3FD2] =	sst s25  }
0xa6: {  	s5 =	sshll.u32 s26, $0x1;
	_ =	strace $0x80000046;
	[dreg:$0x1] =	wrdreg $0xFFFFFFFF  }
0xa7: {  	s28 =	simm.s32 $_size_execute0_lowered;
	s3 =	sadd.s32 s3, s5;
	[dreg:$0x0] =	wrdreg $0x0  }
0xa8: {  	s5 =	sshll.u32 s28, $0x1;
	[dreg:$0x2] =	wrdreg s3  }
0xa9: {  	[dreg:$0x3] =	wrdreg s5  }
0xaa: {  	[dreg:$0x4] =	wrdreg $0xC0  }
0xab: {  	_ =	task [dreg:s7], $0x5FFFF  }
0xac: {  	[dreg:$0x1] =	wrdreg $0xFFFFFFFF  }
0xad: {  	[dreg:$0x0] =	wrdreg $0x60  }
0xae: {  	[dreg:$0x2] =	wrdreg s2  }
0xaf: {  	[dreg:$0x3] =	wrdreg s24  }
0xb0: {  	[dreg:$0x4] =	wrdreg $0x9  }
0xb1: {  	_ =	task.clear_ibuf [dreg:s7], $0x5FFFF;
	_ =	strace $0x90000046  }
0xb2: {  	s29 =	simm.s32 $0x9;
	_ =	strace $0x80000048  }
0xb3: {  	_ =	swait.ge [sflag:s29], $0x1  }
0xb4: {  	[sflag:s29] =	ssyncadd.s32 $0xFFFFFFFF  }
0xb5: {  	_ =	strace $0x90000048  }
0xb6: {  	_ =	sfence  }
0xb7: {  	s30 =	sld [smem:$0x0];
	_ =	sdelay $0x2  }
0xb8: {  	s31 =	sshll.u32 s1, $0xD;
	s1 =	sshrl.u32 s1, $0x2  }
0xb9: {  	s3 =	sand.u32 $0x4000, s31;
	s1 =	sadd.s32 s1, s30  }
0xba: {  	s0 =	sor.u32 s3, s0;
	s1 =	sshll.u32 s1, $0x11  }
0xbb: {  	s0 =	sor.u32 s1, s0  }
0xbc: {  	s0 =	sadd.s32 $0x8F2B, s0  }
0xbd: {  	[sflag:s0] =	ssyncadd.remote.s32 $0x1  }
0xbe: {  	_ =	sfence.sel $0xFFFF  }
0xbf: {  	[dreg:$0x0] =	wrdreg $0xFFFFFFFF;
	(pc) =	sbr.abs _section_cstart, $3  }
0xc0: {  	[dreg:$0x1] =	wrdreg $0xFFFFFFFF  }
0xc1: {  	_ =	task.clear_ibuf [dreg:s7], $0x2FFFF;
	_ =	strace $0x9FFFFFFF  }
0xc2: {  	(tm) =	ssettm $0x7FFFFFFF  }
0xc3: {  	_ =	shalt  }
tec
execute0_lowered:
.L_overlay_start_1:
0x0: {  	(tag) =	ssettag $0x1  }
0x1: {  	s1 =	rddreg [dreg:$0x0]  }
0x2: {  	s4 =	rddreg [dreg:$0x1];
	s2 =	srdreg.scid  }
0x3: {  	s0 =	rddreg [dreg:$0x2];
	s3 =	simm.s32 $0x0;
	s11 =	simm.s32 $0x1  }
0x4: {  	s12 =	simm.s32 $0x2;
	s13 =	simm.s32 $0xE000;
	s5 =	sand.u32 $0x1, s2  }
0x5: {  	v0 =	vimm.f32 $0.0e+00;
	vm2 =	vcmask $0x2320;
	vm1 =	vcmask $0x300;
	s14 =	simm.s32 $0x3;
	s2 =	stileid.u32;
	s6 =	sshll.u32 s5, $0x4  }
0x6: {  	vm0 =	vmmov $0x1;
	vm4 =	vcmask $0x700;
	vm5 =	vcmask $0x2720;
	s15 =	simm.s32 $0x0;
	[smem:$0x7FF] =	sst s3;
	s6 =	sor.u32 s2, s6  }
0x7: {  	vm3 =	vcmask $0xB00;
	vm6 =	vcmask $0x2B20;
	vm7 =	vcmask $0xF00;
	_ =	strace $0x80000047;
	s5 =	ssub.s32 $0x2, s5;
	s7 =	smul.u32 $0x7000, s6  }
0x8: {  	vm8 =	vcmask $0x2F20;
	vm9 =	vcmask $0x1300;
	vm10 =	vcmask $0x3320;
	s31 =	sshrl.u32 s5, $0x1;
	s8 =	sshll.u32 s6, $0x1;
	s9 =	smul.u32 $0xE0, s6  }
0x9: {  	vm11 =	vcmask $0x3720;
	vm13 =	vcmask $0x1B00;
	vm12 =	vcmask $0x1700;
	s10 =	ssub.s32 s5, s31;
	s8 =	sadd.s32 s8, s4;
	s4 =	sadd.s32 s1, s7  }
0xa: {  	v1 =	vlaneseq.u32;
	vm1 =	vmor vm1, vm2;
	vm2 =	vmor vm4, vm2;
	s6 =	sadd.s32 $0x38, s9;
	s7 =	sadd.s32 $0x54, s9;
	s8 =	sadd.s32 $0x600, s8  }
0xb: {  	vm4 =	vmor vm4, vm5;
	vm5 =	vmor vm3, vm5;
	vm13 =	vmor vm13, vm11;
	s9 =	smax.u32 s10, $0x1;
	s10 =	simm.s32 $0x7000;
	s5 =	sadd.s32 $0xE00, s4  }
.LBB2_1:
0xc: {  	v2 =	vimm.f32 $0.0e+00;
	v3 =	vimm.f32 $0.0e+00  }
0xd: {  	v4 =	vimm.f32 $0.0e+00;
	v7 =	vimm.f32 $0.0e+00;
	v8 =	vimm.f32 $0.0e+00  }
0xe: {  	[tilespmem:s3], [sflag:$0x1] =	stream.linear.gather [hbm4b:s4+s3], $0x7000, $0x38;
	v5 =	vimm.f32 $0.0e+00;
	v6 =	vimm.f32 $0.0e+00;
	v19 =	vimm.f32 $0.0e+00;
	[tilespmem:$0xE080] =	vst v63  }
0xf: {  	v14 =	vimm.f32 $0.0e+00;
	v9 =	vimm.f32 $0.0e+00;
	v21 =	vimm.f32 $0.0e+00;
	s16 =	simm.s32 $0x0  }
0x10: {  	v23 =	vimm.f32 $0.0e+00;
	v22 =	vimm.f32 $0.0e+00;
	v12 =	vimm.f32 $0.0e+00;
	[tilespmem:s10], [sflag:$0x2] =	stream.linear.gather [hbm4b:s5+s3], $0x7000, $0x38;
	[tilespmem:$0xE080] =	vst v63  }
.LBB2_2:
0x11: {  	_ =	swait.ge [sflag:s11], $0x7000;
	s17 =	simm.s32 $0x0  }
0x12: {  	[sflag:s11] =	ssyncset.done $0x0;
	s18 =	sand.u32 $0x70, s17;
	s17 =	sand.u32 $0x7C00, s17  }
0x13: {  	[sflag:s11] =	ssyncadd.s32 $0xFFFF9000;
	s17 =	sor.u32 s18, s17  }
0x14: {  	v16 =	vld [tilespmem:s17+$0x300]  }
0x15: {  	v10 =	vld [tilespmem:s17+$0x380]  }
0x16: {  	v11 =	vld [tilespmem:s17+$0x280]  }
0x17: {  	v13 =	vld [tilespmem:s17+$0x80]  }
0x18: {  	v17 =	vld [tilespmem:s17+$0x0]  }
0x19: {  	v15 =	vld [tilespmem:s17+$0x200]  }
0x1a: {  	v25 =	vld [tilespmem:s17+$0x180]  }
0x1b: {  	v24 =	vld [tilespmem:s17+$0x100]  }
0x1c: {  	v18 =	vmul.f32 $1.442695020e+00, v11;
	v20 =	vmul.f32 $1.442695020e+00, v16  }
0x1d: {  	v26 =	vmul.f32 $1.442695020e+00, v10;
	v27 =	vmul.f32 $1.442695020e+00, v17  }
0x1e: {  	v28 =	vmul.f32 $1.442695020e+00, v13;
	v29 =	vmax.f32 v16, v10;
	v30 =	vmul.f32 $1.442695020e+00, v15  }
0x1f: {  	v10 =	vmin.f32 v16, v10;
	(erf) = vpow2.f32 v26;
	v26 =	vmul.f32 $1.442695020e+00, v25  }
0x20: {  	v31 =	vmin.f32 v17, v13;
	(erf) = vpow2.f32 v20;
	v20 =	vmul.f32 $1.442695020e+00, v24  }
0x21: {  	v32 =	vmax.f32 v24, v25;
	v33 =	vmin.f32 v24, v25;
	(erf) = vpow2.f32 v26  }
0x22: {  	v26 =	vmin.f32 v15, v11;
	(erf) = vpow2.f32 v20;
	v20 =	vmax.f32 v15, v11  }
0x23: {  	s30 =	simm.s32 $0x80;
	s31 =	simm.s32 $0x10;
	v10 =	vmax.f32 v26, v10;
	(erf) = vpow2.f32 v27;
	v27 =	vmax.f32 v31, v33  }
0x24: {  	s18 =	sand.u32 $0x70, s31;
	s17 =	sand.u32 $0x7C00, s30;
	v31 =	vmax.f32 v17, v13;
	(erf) = vpow2.f32 v28;
	v28 =	vmax.f32 v20, v29  }
0x25: {  	s17 =	sor.u32 s18, s17;
	v26 =	vmax.f32 v31, v32;
	v20 =	vmin.f32 v20, v29;
	v29 =	vmin.f32 v31, v32  }
0x26: {  	v35 =	vld [tilespmem:s17+$0x200];
	(erf) = vpow2.f32 v30;
	v10 =	vmax.f32 v20, v10;
	v20 =	vmax.f32 v29, v27  }
0x27: {  	v26 =	vmin.f32 v26, v28;
	(erf) = vpow2.f32 v18;
	v10 =	vmax.f32 v20, v10  }
0x28: {  	v26 =	vmax.f32 v26, v10  }
0x29: {  	v29 =	vld [tilespmem:s17+$0x280];
	v18 =	vpop (erf);
	vm14 =	vge.f32 v15, v26  }
0x2a: {  	vm15 =	vge.f32 v11, v26;
	v20 =	vpop (erf);
	v11 =	vsel vm14, $0x3F800000, v0  }
0x2b: {  	v57 =	vmul.f32 $1.442695020e+00, v35;
	v15 =	vsel vm15, $0x3F800000, v0;
	vm14 =	vge.f32 v17, v26;
	v31 =	vpop (erf)  }
0x2c: {  	v28 =	vld [tilespmem:s17+$0x380];
	vm15 =	vge.f32 v13, v26;
	v27 =	vadd.f32 v18, v20;
	v9 =	vadd.f32 v11, v9;
	v30 =	vpop (erf)  }
0x2d: {  	v10 =	vld [tilespmem:s17+$0x300];
	v15 =	vadd.f32 v15, v14;
	v53 =	vsel vm14, $0x3F800000, v0;
	vm14 =	vge.f32 v24, v26;
	v11 =	vpop (erf)  }
0x2e: {  	v34 =	vsel vm15, $0x3F800000, v0;
	vm15 =	vge.f32 v16, v26;
	v55 =	vmul.f32 $1.442695020e+00, v29;
	v18 =	vpop (erf)  }
0x2f: {  	v41 =	vmin.f32 v35, v29;
	v12 =	vadd.f32 v53, v12;
	v54 =	vsel vm14, $0x3F800000, v0;
	v24 =	vpop (erf)  }
0x30: {  	v17 =	vld [tilespmem:s17+$0x0];
	vm14 =	vge.f32 v25, v26;
	v14 =	vadd.f32 v31, v30;
	v52 =	vadd.f32 v18, v11;
	v25 =	vpop (erf)  }
0x31: {  	v13 =	vld [tilespmem:s17+$0x80];
	v38 =	vsel vm15, $0x3F800000, v0;
	v22 =	vadd.f32 v34, v22;
	v36 =	vadd.f32 v25, v24  }
0x32: {  	v16 =	vld [tilespmem:s17+$0x180];
	v26 =	vmax.f32 v10, v28;
	v37 =	vmin.f32 v10, v28;
	v32 =	vadd.f32 v14, v52  }
0x33: {  	v28 =	vmul.f32 $1.442695020e+00, v28;
	v14 =	vadd.f32 v54, v23;
	v23 =	vld [tilespmem:s17+$0x100];
	v27 =	vadd.f32 v27, v36  }
0x34: {  	v56 =	vmul.f32 $1.442695020e+00, v10;
	v45 =	vsel vm14, $0x3F800000, v0;
	v37 =	vmax.f32 v41, v37  }
0x35: {  	v39 =	vmul.f32 $1.442695020e+00, v17;
	(erf) = vpow2.f32 v28;
	v27 =	vadd.f32 v27, v32  }
0x36: {  	v40 =	vmul.f32 $1.442695020e+00, v13;
	v28 =	vmin.f32 v17, v13;
	(erf) = vpow2.f32 v56  }
0x37: {  	v60 =	vmax.f32 v17, v13;
	v42 =	vmul.f32 $1.442695020e+00, v16;
	(erf) = vrcp.f32 v27  }
0x38: {  	v58 =	vmax.f32 v23, v16;
	v43 =	vmin.f32 v23, v16;
	v27 =	vmax.f32 v35, v29  }
0x39: {  	v44 =	vmul.f32 $1.442695020e+00, v23;
	v28 =	vmax.f32 v28, v43;
	v59 =	vmax.f32 v27, v26  }
0x3a: {  	v26 =	vmin.f32 v27, v26;
	(erf) = vpow2.f32 v42;
	v27 =	vmin.f32 v60, v58  }
0x3b: {  	v26 =	vmax.f32 v26, v37;
	(erf) = vpow2.f32 v44;
	v27 =	vmax.f32 v27, v28  }
0x3c: {  	v61 =	vmax.f32 v60, v58;
	(erf) = vpow2.f32 v39;
	v26 =	vmax.f32 v27, v26  }
0x3d: {  	v19 =	vadd.f32 v38, v19;
	v28 =	vmin.f32 v61, v59;
	(erf) = vpow2.f32 v40  }
0x3e: {  	v21 =	vadd.f32 v45, v21;
	v62 =	vpop (erf);
	v27 =	vmax.f32 v28, v26;
	(erf) = vpow2.f32 v57  }
0x3f: {  	vm14 =	vge.f32 v35, v27;
	vm15 =	vge.f32 v29, v27;
	v26 =	vpop (erf);
	(erf) = vpow2.f32 v55  }
0x40: {  	v63 =	vsel vm14, $0x3F800000, v0;
	v32 =	vsel vm15, $0x3F800000, v0;
	v28 =	vadd.f32 v62, v26;
	v29 =	vpop (erf)  }
0x41: {  	s19 =	simm.s32 $0x100;
	s17 =	simm.s32 $0x20;
	v9 =	vadd.f32 v63, v9;
	v30 =	vmul.f32 v29, v30;
	v31 =	vmul.f32 v29, v31  }
.LBB2_3:
0x42: {  	s18 =	smov.u32 s19  }
0x43: {  	s20 =	sand.u32 $0x70, s17;
	s21 =	sand.u32 $0x7C00, s19;
	v15 =	vadd.f32 v32, v15;
	v24 =	vmul.f32 v29, v24;
	v25 =	vmul.f32 v29, v25;
	s18 =	sadd.s32 $0x80, s19  }
0x44: {  	p0 =	sne.s32 s19, $0x6F80;
	v20 =	vmul.f32 v29, v20;
	s20 =	sor.u32 s20, s21;
	v8 =	vadd.f32 v30, v8;
	v7 =	vadd.f32 v31, v7;
	v33 =	vpop (erf)  }
0x45: {  	v32 =	vmul.f32 v29, v18;
	v4 =	vadd.f32 v24, v4;
	v3 =	vadd.f32 v25, v3;
	v30 =	vld [tilespmem:s20+$0x300];
	v31 =	vpop (erf)  }
0x46: {  	v29 =	vmul.f32 v29, v11;
	v2 =	vadd.f32 v20, v2;
	v34 =	vld [tilespmem:s20+$0x380];
	v35 =	vadd.f32 v33, v31;
	v11 =	vpop (erf)  }
0x47: {  	vm14 =	vge.f32 v17, v27;
	vm15 =	vge.f32 v13, v27;
	vm3 =	vge.f32 v23, v27;
	v36 =	vld [tilespmem:s20+$0x280];
	v18 =	vpop (erf)  }
0x48: {  	v23 =	vsel vm14, $0x3F800000, v0;
	v37 =	vsel vm15, $0x3F800000, v0;
	v13 =	vld [tilespmem:s20+$0x80];
	v40 =	vadd.f32 v18, v11;
	v24 =	vpop (erf)  }
0x49: {  	vm14 =	vge.f32 v16, v27;
	v12 =	vadd.f32 v23, v12;
	v23 =	vsel vm3, $0x3F800000, v0;
	v17 =	vld [tilespmem:s20+$0x0];
	v25 =	vpop (erf)  }
0x4a: {  	vm3 =	vge.f32 v10, v27;
	v38 =	vld [tilespmem:s20+$0x200];
	v35 =	vadd.f32 v35, v40;
	v39 =	vadd.f32 v25, v24;
	v10 =	vmovc v30  }
0x4b: {  	v14 =	vadd.f32 v23, v14;
	v20 =	vmovc v26;
	v16 =	vld [tilespmem:s20+$0x180];
	v27 =	vmax.f32 v10, v34;
	v30 =	vmin.f32 v10, v34  }
0x4c: {  	v23 =	vld [tilespmem:s20+$0x100];
	v40 =	vmul.f32 $1.442695020e+00, v36;
	v26 =	vadd.f32 v28, v39;
	v28 =	vsel vm3, $0x3F800000, v0  }
0x4d: {  	v5 =	vadd.f32 v32, v5;
	v34 =	vmul.f32 $1.442695020e+00, v34;
	v39 =	vmul.f32 $1.442695020e+00, v10  }
0x4e: {  	v41 =	vmul.f32 $1.442695020e+00, v13;
	v32 =	vmul.f32 $1.442695020e+00, v17;
	v26 =	vadd.f32 v26, v35  }
0x4f: {  	v6 =	vadd.f32 v29, v6;
	v35 =	vmul.f32 $1.442695020e+00, v38;
	(erf) = vpow2.f32 v34  }
0x50: {  	v29 =	vmin.f32 v17, v13;
	v34 =	vmin.f32 v38, v36;
	(erf) = vpow2.f32 v39  }
0x51: {  	v42 =	vmul.f32 $1.442695020e+00, v16;
	v39 =	vmax.f32 v23, v16;
	(erf) = vrcp.f32 v26  }
0x52: {  	v26 =	vmax.f32 v38, v36;
	v43 =	vmin.f32 v23, v16;
	v44 =	vmul.f32 $1.442695020e+00, v23  }
0x53: {  	v30 =	vmax.f32 v34, v30;
	v29 =	vmax.f32 v29, v43;
	v43 =	vmax.f32 v26, v27  }
0x54: {  	v45 =	vsel vm14, $0x3F800000, v0;
	v19 =	vadd.f32 v28, v19;
	v34 =	vmax.f32 v17, v13  }
0x55: {  	v28 =	vmax.f32 v34, v39;
	v26 =	vmin.f32 v26, v27;
	(erf) = vpow2.f32 v42  }
0x56: {  	v27 =	vmin.f32 v34, v39;
	v26 =	vmax.f32 v26, v30;
	(erf) = vpow2.f32 v44  }
0x57: {  	v27 =	vmax.f32 v27, v29;
	v28 =	vmin.f32 v28, v43;
	(erf) = vpow2.f32 v32  }
.Ltmp0:
0x58: {  	v21 =	vadd.f32 v45, v21;
	v32 =	vmax.f32 v27, v26;
	(erf) = vpow2.f32 v41;
	v30 =	vpop (erf);
	(pc) =	sbr.rel @p0 .LBB2_3-.Ltmp0, $4  }
0x59: {  	v22 =	vadd.f32 v37, v22;
	v27 =	vmax.f32 v28, v32;
	(erf) = vpow2.f32 v35;
	v26 =	vpop (erf)  }
0x5a: {  	vm3 =	vge.f32 v38, v27;
	vm14 =	vge.f32 v36, v27;
	(erf) = vpow2.f32 v40;
	v29 =	vpop (erf)  }
0x5b: {  	v28 =	vadd.f32 v30, v26;
	v30 =	vsel vm3, $0x3F800000, v0;
	v32 =	vsel vm14, $0x3F800000, v0  }
0x5c: {  	s17 =	sadd.s32 $0x10, s17;
	s19 =	smov.u32 s18;
	v9 =	vadd.f32 v30, v9;
	v30 =	vmul.f32 v29, v31;
	v31 =	vmul.f32 v29, v33  }
0x5d: {  	_ = 	snop  }
0x5e: {  	v33 =	vpop (erf)  }
0x5f: {  	v34 =	vpop (erf)  }
0x60: {  	v35 =	vpop (erf)  }
0x61: {  	v36 =	vpop (erf)  }
0x62: {  	v37 =	vpop (erf)  }
0x63: {  	v38 =	vadd.f32 v33, v34;
	v39 =	vpop (erf)  }
0x64: {  	v40 =	vadd.f32 v36, v35;
	v41 =	vadd.f32 v39, v37;
	_ =	sdelay $0x1  }
0x65: {  	v38 =	vadd.f32 v38, v40;
	v28 =	vadd.f32 v28, v41;
	_ =	sdelay $0x1  }
0x66: {  	v28 =	vadd.f32 v28, v38;
	_ =	sdelay $0x1  }
0x67: {  	(erf) = vrcp.f32 v28  }
0x68: {  	s17 =	sshll.u32 s16, $0x1  }
0x69: {  	s18 =	smin.u32 s17, $0x5  }
0x6a: {  	s18 =	smul.u32 $0x1C, s18;
	_ =	sdelay $0x1  }
0x6b: {  	s18 =	sadd.s32 s18, s6  }
0x6c: {  	s18 =	sshll.u32 s18, $0x7  }
0x6d: {  	s18 =	sand.u32 $0x3FFE00, s18  }
0x6e: {  	s19 =	simm.s32 $0x0;
	s18 =	sadd.s32 s1, s18  }
0x6f: {  	v24 =	vmul.f32 v29, v24;
	v25 =	vmul.f32 v29, v25;
	[tilespmem:s19], [sflag:$0x1] =	stream.linear.gather [hbm4b:s18+s19], $0x7000, $0x38;
	v28 =	vpop (erf);
	[tilespmem:$0xE080] =	vst v63  }
0x70: {  	v15 =	vadd.f32 v32, v15;
	v20 =	vmul.f32 v29, v20;
	v18 =	vmul.f32 v29, v18;
	_ =	swait.ge [sflag:s12], $0x7000  }
0x71: {  	vm3 =	vge.f32 v17, v27;
	vm14 =	vge.f32 v13, v27;
	v8 =	vadd.f32 v30, v8;
	s29 =	sand.u32 $0x70, s19;
	s19 =	sand.u32 $0x7C00, s19;
	[sflag:s12] =	ssyncset.done $0x0  }
0x72: {  	v7 =	vadd.f32 v31, v7;
	v13 =	vsel vm14, $0x3F800000, v0;
	v4 =	vadd.f32 v24, v4;
	s18 =	sor.u32 s29, s19;
	[sflag:s12] =	ssyncadd.s32 $0xFFFF9000  }
0x73: {  	v24 =	vadd.f32 v25, v3;
	v3 =	vmul.f32 v29, v11;
	v11 =	vadd.f32 v20, v2;
	v17 =	vld [tilespmem:s18+$0x7300]  }
0x74: {  	v2 =	vsel vm3, $0x3F800000, v0;
	vm3 =	vge.f32 v23, v27;
	v5 =	vadd.f32 v18, v5;
	v20 =	vld [tilespmem:s18+$0x7380]  }
0x75: {  	v12 =	vadd.f32 v2, v12;
	v2 =	vsel vm3, $0x3F800000, v0;
	vm3 =	vge.f32 v16, v27;
	v16 =	vld [tilespmem:s18+$0x7280]  }
0x76: {  	vm14 =	vge.f32 v10, v27;
	v22 =	vadd.f32 v13, v22;
	v23 =	vadd.f32 v2, v14;
	v18 =	vld [tilespmem:s18+$0x7080]  }
0x77: {  	v2 =	vsel vm14, $0x3F800000, v0;
	v14 =	vadd.f32 v3, v6;
	v6 =	vmul.f32 v28, v34;
	v25 =	vld [tilespmem:s18+$0x7000]  }
0x78: {  	v27 =	vadd.f32 v2, v19;
	v10 =	vmul.f32 v28, v33;
	v19 =	vmul.f32 v28, v37;
	v61 =	vld [tilespmem:s18+$0x7200]  }
0x79: {  	v3 =	vsel vm3, $0x3F800000, v0;
	v30 =	vmul.f32 v28, v39;
	v26 =	vmul.f32 v28, v26;
	v29 =	vld [tilespmem:s18+$0x7180]  }
0x7a: {  	v21 =	vadd.f32 v3, v21;
	v13 =	vmul.f32 v28, v36;
	v31 =	vld [tilespmem:s18+$0x7100];
	v62 =	vmul.f32 $1.442695020e+00, v16  }
0x7b: {  	v2 =	vadd.f32 v6, v8;
	v6 =	vmul.f32 $1.442695020e+00, v17;
	v8 =	vmul.f32 $1.442695020e+00, v20  }
0x7c: {  	v3 =	vadd.f32 v10, v7;
	v7 =	vmul.f32 $1.442695020e+00, v25;
	v10 =	vmul.f32 $1.442695020e+00, v18  }
0x7d: {  	v63 =	vmax.f32 v17, v20;
	v20 =	vmin.f32 v17, v20;
	v42 =	vmul.f32 $1.442695020e+00, v61  }
0x7e: {  	v43 =	vmin.f32 v25, v18;
	(erf) = vpow2.f32 v8;
	v8 =	vmul.f32 $1.442695020e+00, v29  }
0x7f: {  	s30 =	simm.s32 $0x80;
	s31 =	simm.s32 $0x10;
	v44 =	vmax.f32 v31, v29;
	(erf) = vpow2.f32 v6;
	v6 =	vmul.f32 $1.442695020e+00, v31  }
0x80: {  	s19 =	sand.u32 $0x70, s31;
	s18 =	sand.u32 $0x7C00, s30;
	v45 =	vmin.f32 v31, v29;
	v46 =	vmax.f32 v25, v18;
	(erf) = vpow2.f32 v8  }
0x81: {  	s18 =	sor.u32 s19, s18;
	v47 =	vmin.f32 v46, v44;
	v8 =	vmin.f32 v61, v16;
	(erf) = vpow2.f32 v6  }
0x82: {  	v50 =	vld [tilespmem:s18+$0x7280];
	v6 =	vmax.f32 v61, v16;
	v8 =	vmax.f32 v8, v20;
	(erf) = vpow2.f32 v7  }
0x83: {  	v20 =	vmax.f32 v46, v44;
	v7 =	vmax.f32 v43, v45;
	(erf) = vpow2.f32 v10  }
0x84: {  	v10 =	vmax.f32 v6, v63;
	v6 =	vmin.f32 v6, v63;
	v7 =	vmax.f32 v47, v7  }
0x85: {  	(erf) = vpow2.f32 v42;
	v8 =	vmax.f32 v6, v8;
	v6 =	vadd.f32 v19, v4  }
0x86: {  	v4 =	vmin.f32 v20, v10;
	(erf) = vpow2.f32 v62;
	v7 =	vmax.f32 v7, v8  }
0x87: {  	v55 =	vmul.f32 $1.442695020e+00, v50;
	v20 =	vmul.f32 v28, v35;
	v28 =	vmax.f32 v4, v7  }
0x88: {  	v10 =	vadd.f32 v26, v11;
	v8 =	vadd.f32 v30, v24;
	v48 =	vpop (erf);
	vm3 =	vge.f32 v61, v28  }
0x89: {  	v26 =	vld [tilespmem:s18+$0x7380];
	v4 =	vadd.f32 v13, v5;
	vm14 =	vge.f32 v16, v28;
	v19 =	vpop (erf);
	v11 =	vsel vm3, $0x3F800000, v0  }
0x8a: {  	v5 =	vadd.f32 v20, v14;
	v7 =	vld [tilespmem:s18+$0x7300];
	v13 =	vsel vm14, $0x3F800000, v0;
	vm3 =	vge.f32 v25, v28;
	v49 =	vpop (erf)  }
0x8b: {  	vm14 =	vge.f32 v18, v28;
	v20 =	vadd.f32 v48, v19;
	v9 =	vadd.f32 v11, v9;
	v30 =	vpop (erf)  }
0x8c: {  	v18 =	vld [tilespmem:s18+$0x7000];
	v14 =	vadd.f32 v13, v15;
	v25 =	vsel vm3, $0x3F800000, v0;
	vm3 =	vge.f32 v31, v28;
	v11 =	vpop (erf)  }
0x8d: {  	v13 =	vld [tilespmem:s18+$0x7080];
	v31 =	vsel vm14, $0x3F800000, v0;
	vm14 =	vge.f32 v29, v28;
	v12 =	vadd.f32 v25, v12;
	v16 =	vpop (erf)  }
0x8e: {  	v29 =	vld [tilespmem:s18+$0x7200];
	v52 =	vsel vm3, $0x3F800000, v0;
	vm3 =	vge.f32 v17, v28;
	v46 =	vsel vm14, $0x3F800000, v0;
	v24 =	vpop (erf)  }
0x8f: {  	v15 =	vadd.f32 v49, v30;
	v28 =	vmax.f32 v7, v26;
	v54 =	vmin.f32 v7, v26;
	v25 =	vpop (erf)  }
0x90: {  	v26 =	vmul.f32 $1.442695020e+00, v26;
	v51 =	vadd.f32 v16, v11;
	v53 =	vadd.f32 v25, v24  }
0x91: {  	v56 =	vmul.f32 $1.442695020e+00, v7;
	v57 =	vsel vm3, $0x3F800000, v0;
	v58 =	vmul.f32 $1.442695020e+00, v18  }
0x92: {  	v17 =	vld [tilespmem:s18+$0x7180];
	(erf) = vpow2.f32 v26;
	v33 =	vadd.f32 v15, v51;
	v20 =	vadd.f32 v20, v53  }
0x93: {  	v59 =	vmul.f32 $1.442695020e+00, v13;
	v60 =	vmul.f32 $1.442695020e+00, v29;
	v15 =	vadd.f32 v52, v23;
	v23 =	vld [tilespmem:s18+$0x7100]  }
0x94: {  	v26 =	vmin.f32 v18, v13;
	v43 =	vmax.f32 v29, v50;
	v20 =	vadd.f32 v20, v33  }
0x95: {  	v61 =	vmin.f32 v29, v50;
	(erf) = vpow2.f32 v56;
	v45 =	vmax.f32 v43, v28  }
0x96: {  	v37 =	vmax.f32 v61, v54;
	v28 =	vmin.f32 v43, v28;
	(erf) = vrcp.f32 v20  }
0x97: {  	v63 =	vmax.f32 v18, v13;
	v42 =	vmul.f32 $1.442695020e+00, v17;
	v28 =	vmax.f32 v28, v37  }
0x98: {  	v62 =	vmax.f32 v23, v17;
	v44 =	vmul.f32 $1.442695020e+00, v23;
	v20 =	vmin.f32 v23, v17  }
0x99: {  	v36 =	vmin.f32 v63, v62;
	v26 =	vmax.f32 v26, v20;
	(erf) = vpow2.f32 v42  }
0x9a: {  	v20 =	vadd.f32 v57, v27;
	(erf) = vpow2.f32 v44;
	v26 =	vmax.f32 v36, v26  }
0x9b: {  	v27 =	vmax.f32 v63, v62;
	(erf) = vpow2.f32 v58;
	v26 =	vmax.f32 v26, v28  }
0x9c: {  	v22 =	vadd.f32 v31, v22;
	v27 =	vmin.f32 v27, v45;
	(erf) = vpow2.f32 v59  }
0x9d: {  	v21 =	vadd.f32 v46, v21;
	v28 =	vpop (erf);
	v27 =	vmax.f32 v27, v26;
	(erf) = vpow2.f32 v60  }
0x9e: {  	vm3 =	vge.f32 v29, v27;
	vm14 =	vge.f32 v50, v27;
	v26 =	vpop (erf);
	(erf) = vpow2.f32 v55  }
0x9f: {  	v31 =	vsel vm3, $0x3F800000, v0;
	v32 =	vsel vm14, $0x3F800000, v0;
	v28 =	vadd.f32 v28, v26;
	v29 =	vpop (erf)  }
0xa0: {  	s20 =	simm.s32 $0x100;
	s18 =	simm.s32 $0x20;
	v9 =	vadd.f32 v31, v9;
	v30 =	vmul.f32 v29, v30;
	v31 =	vmul.f32 v29, v49  }
.LBB2_5:
0xa1: {  	s19 =	smov.u32 s20  }
0xa2: {  	s21 =	sand.u32 $0x70, s18;
	s22 =	sand.u32 $0x7C00, s20;
	v14 =	vadd.f32 v32, v14;
	v24 =	vmul.f32 v29, v24;
	v25 =	vmul.f32 v29, v25;
	s19 =	sadd.s32 $0x80, s20  }
0xa3: {  	p0 =	sne.s32 s20, $0x6F80;
	v19 =	vmul.f32 v29, v19;
	s21 =	sor.u32 s21, s22;
	v2 =	vadd.f32 v30, v2;
	v3 =	vadd.f32 v31, v3;
	v33 =	vpop (erf)  }
0xa4: {  	v32 =	vmul.f32 v29, v16;
	v6 =	vadd.f32 v24, v6;
	v8 =	vadd.f32 v25, v8;
	v30 =	vld [tilespmem:s21+$0x7300];
	v31 =	vpop (erf)  }
0xa5: {  	v29 =	vmul.f32 v29, v11;
	v10 =	vadd.f32 v19, v10;
	v34 =	vld [tilespmem:s21+$0x7380];
	v35 =	vadd.f32 v33, v31;
	v11 =	vpop (erf)  }
0xa6: {  	vm3 =	vge.f32 v18, v27;
	vm14 =	vge.f32 v13, v27;
	vm15 =	vge.f32 v23, v27;
	v36 =	vld [tilespmem:s21+$0x7280];
	v16 =	vpop (erf)  }
0xa7: {  	v23 =	vsel vm3, $0x3F800000, v0;
	v37 =	vsel vm14, $0x3F800000, v0;
	v13 =	vld [tilespmem:s21+$0x7080];
	v40 =	vadd.f32 v16, v11;
	v24 =	vpop (erf)  }
0xa8: {  	vm14 =	vge.f32 v17, v27;
	v12 =	vadd.f32 v23, v12;
	v23 =	vsel vm15, $0x3F800000, v0;
	v18 =	vld [tilespmem:s21+$0x7000];
	v25 =	vpop (erf)  }
0xa9: {  	vm3 =	vge.f32 v7, v27;
	v38 =	vld [tilespmem:s21+$0x7200];
	v35 =	vadd.f32 v35, v40;
	v39 =	vadd.f32 v25, v24;
	v7 =	vmovc v30  }
0xaa: {  	v15 =	vadd.f32 v23, v15;
	v19 =	vmovc v26;
	v17 =	vld [tilespmem:s21+$0x7180];
	v27 =	vmax.f32 v7, v34;
	v30 =	vmin.f32 v7, v34  }
0xab: {  	v23 =	vld [tilespmem:s21+$0x7100];
	v40 =	vmul.f32 $1.442695020e+00, v36;
	v26 =	vadd.f32 v28, v39;
	v28 =	vsel vm3, $0x3F800000, v0  }
0xac: {  	v4 =	vadd.f32 v32, v4;
	v34 =	vmul.f32 $1.442695020e+00, v34;
	v39 =	vmul.f32 $1.442695020e+00, v7  }
0xad: {  	v41 =	vmul.f32 $1.442695020e+00, v13;
	v32 =	vmul.f32 $1.442695020e+00, v18;
	v26 =	vadd.f32 v26, v35  }
0xae: {  	v5 =	vadd.f32 v29, v5;
	v35 =	vmul.f32 $1.442695020e+00, v38;
	(erf) = vpow2.f32 v34  }
0xaf: {  	v29 =	vmin.f32 v18, v13;
	v34 =	vmin.f32 v38, v36;
	(erf) = vpow2.f32 v39  }
0xb0: {  	v42 =	vmul.f32 $1.442695020e+00, v17;
	v39 =	vmax.f32 v23, v17;
	(erf) = vrcp.f32 v26  }
0xb1: {  	v26 =	vmax.f32 v38, v36;
	v43 =	vmin.f32 v23, v17;
	v44 =	vmul.f32 $1.442695020e+00, v23  }
0xb2: {  	v30 =	vmax.f32 v34, v30;
	v29 =	vmax.f32 v29, v43;
	v43 =	vmax.f32 v26, v27  }
0xb3: {  	v45 =	vsel vm14, $0x3F800000, v0;
	v20 =	vadd.f32 v28, v20;
	v34 =	vmax.f32 v18, v13  }
0xb4: {  	v28 =	vmax.f32 v34, v39;
	v26 =	vmin.f32 v26, v27;
	(erf) = vpow2.f32 v42  }
0xb5: {  	v27 =	vmin.f32 v34, v39;
	v26 =	vmax.f32 v26, v30;
	(erf) = vpow2.f32 v44  }
0xb6: {  	v27 =	vmax.f32 v27, v29;
	v28 =	vmin.f32 v28, v43;
	(erf) = vpow2.f32 v32  }
.Ltmp1:
0xb7: {  	v21 =	vadd.f32 v45, v21;
	v32 =	vmax.f32 v27, v26;
	(erf) = vpow2.f32 v41;
	v30 =	vpop (erf);
	(pc) =	sbr.rel @p0 .LBB2_5-.Ltmp1, $4  }
0xb8: {  	v22 =	vadd.f32 v37, v22;
	v27 =	vmax.f32 v28, v32;
	(erf) = vpow2.f32 v35;
	v26 =	vpop (erf)  }
0xb9: {  	vm3 =	vge.f32 v38, v27;
	vm14 =	vge.f32 v36, v27;
	(erf) = vpow2.f32 v40;
	v29 =	vpop (erf)  }
0xba: {  	v28 =	vadd.f32 v30, v26;
	v30 =	vsel vm3, $0x3F800000, v0;
	v32 =	vsel vm14, $0x3F800000, v0  }
0xbb: {  	s18 =	sadd.s32 $0x10, s18;
	s20 =	smov.u32 s19;
	v9 =	vadd.f32 v30, v9;
	v30 =	vmul.f32 v29, v31;
	v31 =	vmul.f32 v29, v33  }
0xbc: {  	_ = 	snop  }
0xbd: {  	v33 =	vpop (erf)  }
0xbe: {  	v34 =	vpop (erf)  }
0xbf: {  	v35 =	vpop (erf)  }
0xc0: {  	v36 =	vpop (erf)  }
0xc1: {  	v37 =	vpop (erf)  }
0xc2: {  	v38 =	vadd.f32 v33, v34;
	v39 =	vpop (erf)  }
0xc3: {  	v40 =	vadd.f32 v36, v35;
	v41 =	vadd.f32 v39, v37;
	_ =	sdelay $0x1  }
0xc4: {  	v38 =	vadd.f32 v38, v40;
	v28 =	vadd.f32 v28, v41;
	_ =	sdelay $0x1  }
0xc5: {  	v28 =	vadd.f32 v28, v38;
	_ =	sdelay $0x1  }
0xc6: {  	(erf) = vrcp.f32 v28  }
0xc7: {  	v24 =	vmul.f32 v29, v24;
	v25 =	vmul.f32 v29, v25  }
0xc8: {  	v14 =	vadd.f32 v32, v14;
	v16 =	vmul.f32 v29, v16;
	v11 =	vmul.f32 v29, v11  }
0xc9: {  	vm14 =	vge.f32 v13, v27;
	v2 =	vadd.f32 v30, v2;
	v3 =	vadd.f32 v31, v3  }
0xca: {  	v13 =	vsel vm14, $0x3F800000, v0;
	vm14 =	vge.f32 v7, v27;
	v6 =	vadd.f32 v24, v6  }
0xcb: {  	v63 =	vadd.f32 v25, v8;
	v8 =	vmul.f32 v29, v19;
	v7 =	vsel vm14, $0x3F800000, v0  }
0xcc: {  	vm3 =	vge.f32 v18, v27;
	v11 =	vadd.f32 v11, v5;
	v19 =	vadd.f32 v7, v20  }
0xcd: {  	v10 =	vadd.f32 v8, v10;
	v8 =	vsel vm3, $0x3F800000, v0;
	vm3 =	vge.f32 v23, v27  }
0xce: {  	s17 =	smin.u32 s17, $0x4;
	v12 =	vadd.f32 v8, v12;
	v8 =	vsel vm3, $0x3F800000, v0;
	vm3 =	vge.f32 v17, v27  }
0xcf: {  	s16 =	sadd.s32 $0x1, s16;
	s17 =	smul.u32 $0x1C, s17;
	v23 =	vadd.f32 v8, v15;
	v15 =	vadd.f32 v16, v4;
	v4 =	vsel vm3, $0x3F800000, v0;
	v5 =	vpop (erf)  }
0xd0: {  	p0 =	sne.s32 s16, $0x4;
	v21 =	vadd.f32 v4, v21;
	v4 =	vmul.f32 v5, v34;
	v7 =	vmul.f32 v5, v33  }
.Ltmp2:
0xd1: {  	v22 =	vadd.f32 v13, v22;
	s17 =	sadd.s32 s17, s7;
	v13 =	vmul.f32 v5, v37;
	v16 =	vmul.f32 v5, v39;
	(pc) =	sbr.rel @p0 .LBB2_2-.Ltmp2, $4  }
0xd2: {  	s17 =	sshll.u32 s17, $0x7;
	v17 =	vmul.f32 v5, v36;
	v8 =	vadd.f32 v4, v2;
	v7 =	vadd.f32 v7, v3  }
0xd3: {  	s17 =	sand.u32 $0x3FFE00, s17;
	v2 =	vmul.f32 v5, v26;
	v4 =	vadd.f32 v13, v6;
	v6 =	vmul.f32 v5, v35  }
0xd4: {  	s17 =	sadd.s32 s1, s17;
	v3 =	vadd.f32 v16, v63;
	v5 =	vadd.f32 v17, v15  }
0xd5: {  	[tilespmem:s10], [sflag:$0x2] =	stream.linear.gather [hbm4b:s17+s3], $0x7000, $0x38;
	v2 =	vadd.f32 v2, v10;
	v6 =	vadd.f32 v6, v11;
	[tilespmem:$0xE080] =	vst v63  }
0xd6: {  	_ =	swait.ge [sflag:s11], $0x7000  }
0xd7: {  	[sflag:s11] =	ssyncset.done $0x0  }
0xd8: {  	[sflag:s11] =	ssyncadd.s32 $0xFFFF9000  }
0xd9: {  	_ =	swait.ge [sflag:s12], $0x7000  }
0xda: {  	(xrf2) =	vadd.scan.msk.f32 $0xffff, v12  }
0xdb: {  	(xrf2) =	vadd.scan.msk.f32 $0xffff, v22  }
0xdc: {  	(xrf2) =	vadd.scan.msk.f32 $0xffff, v23  }
0xdd: {  	(xrf2) =	vadd.scan.msk.f32 $0xffff, v21  }
0xde: {  	(xrf2) =	vadd.scan.msk.f32 $0xffff, v9  }
0xdf: {  	(xrf2) =	vadd.scan.msk.f32 $0xffff, v14  }
0xe0: {  	(xrf2) =	vadd.scan.msk.f32 $0xffff, v19  }
0xe1: {  	(xrf2) =	vadd.scan.msk.f32 $0xffff, v6;
	_ =	sdelay $0x1  }
0xe2: {  	(xrf2) =	vadd.scan.msk.f32 $0xffff, v5  }
0xe3: {  	v52, _, _ =	vpop (xrf2)  }
0xe4: {  	(xrf2) =	vadd.scan.msk.f32 $0xffff, v8;
	(v2sf) =	vpush v52, $0xF;
	v53, _, _ =	vpop (xrf2)  }
0xe5: {  	v54, _, _ =	vpop (xrf2);
	(v2sf) =	vpush v53, $0xF  }
0xe6: {  	(xrf2) =	vadd.scan.msk.f32 $0xffff, v7;
	(v2sf) =	vpush v54, $0xF;
	v55, _, _ =	vpop (xrf2)  }
0xe7: {  	v56, _, _ =	vpop (xrf2);
	(v2sf) =	vpush v55, $0xF  }
0xe8: {  	(xrf2) =	vadd.scan.msk.f32 $0xffff, v4;
	(v2sf) =	vpush v56, $0xF;
	v10, _, _ =	vpop (xrf2)  }
0xe9: {  	v57, _, _ =	vpop (xrf2);
	(v2sf) =	vpush v10, $0xF  }
0xea: {  	(xrf2) =	vadd.scan.msk.f32 $0xffff, v3;
	(v2sf) =	vpush v57, $0xF;
	v11, _, _ =	vpop (xrf2)  }
0xeb: {  	(v2sf) =	vpush v11, $0xF  }
0xec: {  	(xrf2) =	vadd.scan.msk.f32 $0xffff, v2;
	v3, _, _ =	vpop (xrf2)  }
0xed: {  	(v2sf) =	vpush v3, $0xF  }
0xee: {  	v2, _, _ =	vpop (xrf2)  }
0xef: {  	(v2sf) =	vpush v2, $0xF  }
0xf0: {  	v58, _, _ =	vpop (xrf2)  }
0xf1: {  	(v2sf) =	vpush v58, $0xF  }
0xf2: {  	v13, _, _ =	vpop (xrf2)  }
0xf3: {  	s16 =	spop (v2sf);
	(v2sf) =	vpush v13, $0xF  }
0xf4: {  	v59, _, _ =	vpop (xrf2);
	s17 =	spop (v2sf)  }
0xf5: {  	(v2sf) =	vpush v59, $0xF;
	s18 =	spop (v2sf)  }
0xf6: {  	v15, _, _ =	vpop (xrf2);
	s19 =	spop (v2sf)  }
0xf7: {  	(v2sf) =	vpush v15, $0xF;
	s20 =	spop (v2sf)  }
0xf8: {  	s21 =	spop (v2sf)  }
0xf9: {  	s22 =	spop (v2sf)  }
0xfa: {  	s16 =	sadd.f32 $0.0e+00, s16;
	s23 =	spop (v2sf)  }
0xfb: {  	v5 =	vbroadcast v52, $0xF;
	v11 =	vbroadcast v11, $0xF;
	s23 =	sadd.f32 $0.0e+00, s23  }
0xfc: {  	v6 =	vbroadcast v53, $0xF;
	s16 =	sadd.f32 s17, s16;
	s24 =	spop (v2sf)  }
0xfd: {  	v3 =	vbroadcast v3, $0xF;
	v5 =	vsel vm0, v5, v11;
	s25 =	sadd.f32 s24, s23  }
0xfe: {  	v60 =	vbroadcast v54, $0xF;
	v5 =	vsel vm1, v5, v6;
	s16 =	sadd.f32 s18, s16;
	s26 =	spop (v2sf)  }
0xff: {  	v2 =	vbroadcast v2, $0xF;
	v3 =	vsel vm2, v5, v3;
	s17 =	sadd.f32 s26, s25  }
0x100: {  	vm3 =	vcmask $0xB00;
	v61 =	vbroadcast v55, $0xF;
	v3 =	vsel vm4, v3, v60;
	s16 =	sadd.f32 s19, s16;
	s28 =	spop (v2sf)  }
0x101: {  	vm3 =	vmor vm3, vm6;
	v2 =	vsel vm5, v3, v2;
	v3 =	vbroadcast v58, $0xF;
	s17 =	sadd.f32 s28, s17  }
0x102: {  	v62 =	vbroadcast v56, $0xF;
	v2 =	vsel vm3, v2, v61;
	vm3 =	vmor vm7, vm6;
	s16 =	sadd.f32 s20, s16;
	s29 =	spop (v2sf)  }
0x103: {  	v2 =	vsel vm3, v2, v3;
	vm3 =	vmor vm7, vm8;
	v3 =	vbroadcast v13, $0xF;
	s17 =	sadd.f32 s29, s17  }
0x104: {  	v63 =	vbroadcast v10, $0xF;
	v2 =	vsel vm3, v2, v62;
	vm3 =	vmor vm9, vm8;
	s16 =	sadd.f32 s21, s16;
	s30 =	spop (v2sf)  }
0x105: {  	v2 =	vsel vm3, v2, v3;
	vm3 =	vmor vm9, vm10;
	v3 =	vbroadcast v59, $0xF;
	s17 =	sadd.f32 s30, s17  }
0x106: {  	v4 =	vbroadcast v57, $0xF;
	v2 =	vsel vm3, v2, v63;
	vm3 =	vmor vm12, vm10;
	s16 =	sadd.f32 s22, s16;
	s31 =	spop (v2sf)  }
0x107: {  	v2 =	vsel vm3, v2, v3;
	vm3 =	vmor vm12, vm11;
	v3 =	vbroadcast v15, $0xF;
	s17 =	sadd.f32 s31, s17  }
0x108: {  	v2 =	vsel vm3, v2, v4;
	s16 =	ssub.f32 $5.734400000e+04, s16  }
0x109: {  	vm3 =	veq.s32 v1, $0x7;
	v2 =	vsel vm13, v2, v3;
	s17 =	ssub.f32 $2.867200000e+04, s17  }
0x10a: {  	s15 =	sadd.s32 $0x1, s15;
	[sflag:s12] =	ssyncset.done $0x0;
	v2 =	vsel vm3, s16, v2;
	vm3 =	veq.s32 v1, $0xF  }
0x10b: {  	p0 =	sne.s32 s15, s9;
	[sflag:s12] =	ssyncadd.s32 $0xFFFF9000;
	v2 =	vsel vm3, s17, v2  }
.Ltmp3:
0x10c: {  	[tilespmem:$0xE000] =	vst v2;
	(pc) =	sbr.rel @p0 .LBB2_1-.Ltmp3, $4  }
0x10d: {  	[hbm4b:s8+s3] =	stream.linear.scatter [tilespmem:s13], [sflag:$0x3], $0x10, $0x38;
	[tilespmem:$0xE080] =	vst v63  }
0x10e: {  	_ =	swait.ge [sflag:s14], $0x10  }
0x10f: {  	[sflag:s14] =	ssyncset.done $0x0  }
0x110: {  	[sflag:s14] =	ssyncadd.s32 $0xFFFFFFF0  }
0x111: {  	_ =	sfence.sel $0x180000  }
0x112: {  	[bflag:$0x0] =	sbarrier.arrive $0xFFFF  }
0x113: {  	p0 =	sne.s32 s2, $0x0;
	_ =	strace $0x90000047  }
0x114: {  	s0 =	sadd.s32 @!p0 $0x100000, s0;
	[bflag:$0x2] =	sbarrier.arrive $0xFFFF  }
0x115: {  	[sflag:s0] =	ssyncadd.tile.s32 @!p0 $0x1;
	_ =	shalt  }
.Lfunc_end2:
_tile_overlayer_lowered:
.L_overlay_start_2:
0x116: {  	(tag) =	ssettag $0x2  }
0x117: {  	s0 =	rddreg [dreg:$0x0];
	s2 =	stileid.u32  }
0x118: {  	s1 =	rddreg [dreg:$0x1];
	p0 =	sne.s32 s2, $0x0  }
0x119: {  	s3 =	rddreg [dreg:$0x2];
	[bflag:$0x3] =	sbarrier.arrive $0xFFFF;
	s2 =	simm.s32 @!p0 $0x1C03  }
0x11a: {  	[timem:s3], [sflag:s2] =	dma.local @!p0 [hbm:s0], s1  }
0x11b: {  	s0 =	simm.s32 @!p0 $0x3  }
0x11c: {  	_ =	swait.ge @!p0 [sflag:s0], s1  }
0x11d: {  	s1 =	ssub.s32 @!p0 $0x0, s1;
	[sflag:s0] =	ssyncset.done @!p0 $0x0  }
0x11e: {  	[sflag:s0] =	ssyncadd.s32 @!p0 s1  }
0x11f: {  	[bflag:$0x3] =	sbarrier.arrive $0xFFFF  }
0x120: {  	_ =	shalt  }

</sc_bundles>
